<compile_context>
chip_gen: v7x
topology: tpu7x:2x2x1
jax: 0.10.2.dev20260603
libtpu: 0.0.44.dev20260713+nightly
codegen_flags: <defaults>
</compile_context>

<pallas_src>
import jax
import jax.numpy as jnp
from jax import lax
from jax.experimental import pallas as pl
from jax.experimental.pallas import tpu as pltpu
from jax.experimental.pallas import tpu_sc as plsc

DIM = 1024
LANES = 16
NUM_CORES = 2
NUM_SUBCORES = 16
NUM_WORKERS = NUM_CORES * NUM_SUBCORES
CHUNK = 8
NBUF = 4


def _make_kernel(n_rows):
    rows_per_worker = n_rows // NUM_WORKERS
    n_chunks = rows_per_worker // CHUNK
    assert n_chunks % NBUF == 0 and n_chunks >= 2 * NBUF
    mesh = plsc.VectorSubcoreMesh(core_axis_name="c", subcore_axis_name="s")

    @jax.jit
    def run(x, idx, pe):
        @pl.kernel(
            out_type=jax.ShapeDtypeStruct((n_rows, DIM), jnp.float32),
            mesh=mesh,
            scratch_types=[
                pltpu.VMEM((rows_per_worker,), jnp.int32),
                [pltpu.VMEM((CHUNK, DIM), jnp.float32)] * NBUF,
                [pltpu.VMEM((CHUNK, DIM), jnp.float32)] * NBUF,
                [pltpu.SemaphoreType.DMA] * NBUF,
                [pltpu.SemaphoreType.DMA] * NBUF,
                pltpu.SemaphoreType.DMA,
            ],
        )
        def sc_kernel(x_hbm, idx_hbm, pe_hbm, out_hbm, idx_v, pe_v, o_v,
                      sem_in, sem_out, sem_idx):
            wid = lax.axis_index("s") * NUM_CORES + lax.axis_index("c")
            base = wid * rows_per_worker
            idx_cp = pltpu.async_copy(
                idx_hbm.at[pl.ds(base, rows_per_worker)], idx_v, sem_idx)

            def start_in(g, b):
                pltpu.async_copy(
                    x_hbm.at[pl.ds(base + g * CHUNK, CHUNK)],
                    o_v[b], sem_in[b])
                pltpu.async_copy(
                    pe_hbm.at[idx_v.at[pl.ds(g * CHUNK, CHUNK)]],
                    pe_v[b], sem_in[b])

            def wait_in(b):
                pltpu.make_async_copy(
                    x_hbm.at[pl.ds(base, CHUNK)], pe_v[b], sem_in[b]).wait()
                pltpu.make_async_copy(
                    x_hbm.at[pl.ds(base, CHUNK)], o_v[b], sem_in[b]).wait()

            def wait_out(b):
                pltpu.make_async_copy(
                    x_hbm.at[pl.ds(base, CHUNK)], o_v[b], sem_out[b]).wait()

            for b in range(NBUF):
                pltpu.async_copy(
                    x_hbm.at[pl.ds(base + b * CHUNK, CHUNK)],
                    o_v[b], sem_in[b])
            idx_cp.wait()
            for b in range(NBUF):
                pltpu.async_copy(
                    pe_hbm.at[idx_v.at[pl.ds(b * CHUNK, CHUNK)]],
                    pe_v[b], sem_in[b])

            @pl.loop(0, n_chunks, step=NBUF)
            def _pipe(g0):
                for b in range(NBUF):
                    g = g0 + b
                    q = (b + 2) % NBUF

                    @pl.when(jnp.logical_and(g >= 2, g + 2 < n_chunks))
                    def _():
                        wait_out(q)
                        start_in(g + 2, q)

                    wait_in(b)

                    @pl.loop(0, CHUNK)
                    def _row(r):
                        @pl.loop(0, DIM // LANES, unroll=16)
                        def _col(j):
                            sl = pl.ds(j * LANES, LANES)
                            plsc.addupdate(o_v[b].at[r, sl], pe_v[b][r, sl])

                    pltpu.async_copy(
                        o_v[b], out_hbm.at[pl.ds(base + g * CHUNK, CHUNK)],
                        sem_out[b])

            for b in range(NBUF):
                wait_out(b)

        return sc_kernel(x, idx, pe)

    return run


def kernel(x, tss_indexes, pe):
    b, s, d = x.shape
    n_rows = b * s
    x_flat = x.reshape(n_rows, d)
    idx_flat = tss_indexes.reshape(n_rows).astype(jnp.int32)
    out = _make_kernel(n_rows)(x_flat, idx_flat, pe)
    return out.reshape(b, s, d)

# --- scband reference (transcript-rebuilt; emitter-appended) ---
"""Pipeline reference for scband-exp-gamma-fixed-positional-encoding-45346264711184 (READ-ONLY COPY).

The authoritative reference and input builder live on the scoring server;
editing this copy changes nothing except your own understanding.
"""

import math
import jax, jax.numpy as jnp
import numpy as np

DIM = 1024
MAX_LEN = 8192


def _build_pe(dim=DIM, max_len=MAX_LEN):
    half = dim // 2
    positions = jnp.arange(max_len, dtype=jnp.float32)[:, None]
    # exponential features
    min_half_life = 3.0
    max_range = math.log(max_len) / math.log(2.0)
    half_life = 2.0 ** jnp.linspace(min_half_life, max_range, half)[None, :]
    exp_feat = jnp.exp(-math.log(2.0) / half_life * jnp.abs(positions))
    # gamma features
    stddev = max_len / (2 * half)
    start_mean = max_len / half
    mean = jnp.linspace(start_mean, float(max_len), half)[None, :]
    concentration = (mean / stddev) ** 2
    rate = mean / (stddev ** 2)
    xp = jnp.abs(positions)
    log_unnorm = jax.scipy.special.xlogy(concentration - 1.0, xp) - rate * xp
    log_norm = jax.scipy.special.gammaln(concentration) - concentration * jnp.log(rate)
    probs = jnp.exp(log_unnorm - log_norm) + 1e-08
    gamma_feat = probs / jnp.max(probs, axis=-1, keepdims=True)
    return jnp.concatenate([exp_feat, gamma_feat], axis=-1)


def setup_inputs(seed: int = 0) -> dict:
    key = jax.random.key(seed)
    k1, k2 = jax.random.split(key)
    x = jax.random.normal(k1, (4, 4096, DIM), dtype=jnp.float32)
    tss_indexes = jax.random.randint(k2, (4, 4096), 0, MAX_LEN, dtype=jnp.int64 if jax.config.read('jax_enable_x64') else jnp.int32)
    pe = _build_pe()
    return {"x": x, "tss_indexes": tss_indexes, "pe": pe}


def reference(x, tss_indexes, pe):
    # x: [B, S, dim]; pe: [max_len, dim]; tss_indexes: [B, S]
    # dropout is identity at inference time
    out = x + jnp.take(pe, tss_indexes, axis=0)
    return out

if __name__ == "__main__":
    import jax
    _d = setup_inputs()
    print(jax.jit(kernel)(*tuple(_d.values())))

</pallas_src>

<mosaic_0001>
#map = affine_map<(d0, d1) -> (0, 0)>
#map1 = affine_map<(d0, d1) -> (0)>
module attributes {stable_mosaic.version = 14 : i64} {
  func.func @sc_kernel(%arg0: i32, %arg1: i32, %arg2: memref<16384x1024xf32, #tpu.memory_space<hbm>>, %arg3: memref<16384xi32, #tpu.memory_space<hbm>>, %arg4: memref<8192x1024xf32, #tpu.memory_space<hbm>>, %arg5: memref<16384x1024xf32, #tpu.memory_space<hbm>>, %arg6: memref<512xi32, #tpu.memory_space<vmem>>, %arg7: memref<8x1024xf32, #tpu.memory_space<vmem>>, %arg8: memref<8x1024xf32, #tpu.memory_space<vmem>>, %arg9: memref<8x1024xf32, #tpu.memory_space<vmem>>, %arg10: memref<8x1024xf32, #tpu.memory_space<vmem>>, %arg11: memref<8x1024xf32, #tpu.memory_space<vmem>>, %arg12: memref<8x1024xf32, #tpu.memory_space<vmem>>, %arg13: memref<8x1024xf32, #tpu.memory_space<vmem>>, %arg14: memref<8x1024xf32, #tpu.memory_space<vmem>>, %arg15: memref<!tpu.dma_semaphore, #tpu.memory_space<semaphore_mem>>, %arg16: memref<!tpu.dma_semaphore, #tpu.memory_space<semaphore_mem>>, %arg17: memref<!tpu.dma_semaphore, #tpu.memory_space<semaphore_mem>>, %arg18: memref<!tpu.dma_semaphore, #tpu.memory_space<semaphore_mem>>, %arg19: memref<!tpu.dma_semaphore, #tpu.memory_space<semaphore_mem>>, %arg20: memref<!tpu.dma_semaphore, #tpu.memory_space<semaphore_mem>>, %arg21: memref<!tpu.dma_semaphore, #tpu.memory_space<semaphore_mem>>, %arg22: memref<!tpu.dma_semaphore, #tpu.memory_space<semaphore_mem>>, %arg23: memref<!tpu.dma_semaphore, #tpu.memory_space<semaphore_mem>>) attributes {dimension_semantics = [#tpu.dimension_semantics<core_parallel>, #tpu.dimension_semantics<subcore_parallel>], iteration_bounds = array<i64: 2, 16>, scalar_prefetch = 0 : i64, scratch_operands = 18 : i64, tpu.core_type = #tpu.core_type<sc_vector_subcore>, window_params = [{transform_indices = #map}, {transform_indices = #map1}, {transform_indices = #map}, {transform_indices = #map}]} {
    %mul3A = arith.constant 2 : i32
    %mul3A_0 = arith.muli %arg1, %mul3A : i32
    %add3A = arith.addi %mul3A_0, %arg0 : i32
    %mul3A_1 = arith.constant 512 : i32
    %mul3A_2 = arith.muli %add3A, %mul3A_1 : i32
    %dma_start3A = tpu.memref_slice %arg3[%mul3A_2] : memref<16384xi32, #tpu.memory_space<hbm>> -> memref<512xi32, #tpu.memory_space<hbm>>
    %dma_start3A_3 = tpu.memref_slice %arg3[%mul3A_2] : memref<16384xi32, #tpu.memory_space<hbm>> -> memref<512xi32, #tpu.memory_space<hbm>>
    tpu.enqueue_dma source(%dma_start3A_3 : memref<512xi32, #tpu.memory_space<hbm>>) target(%arg6 : memref<512xi32, #tpu.memory_space<vmem>>) target_semaphore(%arg23 : memref<!tpu.dma_semaphore, #tpu.memory_space<semaphore_mem>>)
    %add3A_4 = arith.constant 0 : i32
    %add3A_5 = arith.addi %mul3A_2, %add3A_4 : i32
    %dma_start3A_6 = arith.constant 0 : i32
    %dma_start3A_7 = tpu.memref_slice %arg2[%add3A_5, %dma_start3A_6] : memref<16384x1024xf32, #tpu.memory_space<hbm>> -> memref<8x1024xf32, #tpu.memory_space<hbm>>
    %dma_start3A_8 = arith.constant 0 : i32
    %dma_start3A_9 = tpu.memref_slice %arg2[%add3A_5, %dma_start3A_8] : memref<16384x1024xf32, #tpu.memory_space<hbm>> -> memref<8x1024xf32, #tpu.memory_space<hbm>>
    tpu.enqueue_dma source(%dma_start3A_9 : memref<8x1024xf32, #tpu.memory_space<hbm>>) target(%arg11 : memref<8x1024xf32, #tpu.memory_space<vmem>>) target_semaphore(%arg15 : memref<!tpu.dma_semaphore, #tpu.memory_space<semaphore_mem>>)
    %add3A_10 = arith.constant 8 : i32
    %add3A_11 = arith.addi %mul3A_2, %add3A_10 : i32
    %dma_start3A_12 = arith.constant 0 : i32
    %dma_start3A_13 = tpu.memref_slice %arg2[%add3A_11, %dma_start3A_12] : memref<16384x1024xf32, #tpu.memory_space<hbm>> -> memref<8x1024xf32, #tpu.memory_space<hbm>>
    %dma_start3A_14 = arith.constant 0 : i32
    %dma_start3A_15 = tpu.memref_slice %arg2[%add3A_11, %dma_start3A_14] : memref<16384x1024xf32, #tpu.memory_space<hbm>> -> memref<8x1024xf32, #tpu.memory_space<hbm>>
    tpu.enqueue_dma source(%dma_start3A_15 : memref<8x1024xf32, #tpu.memory_space<hbm>>) target(%arg12 : memref<8x1024xf32, #tpu.memory_space<vmem>>) target_semaphore(%arg16 : memref<!tpu.dma_semaphore, #tpu.memory_space<semaphore_mem>>)
    %add3A_16 = arith.constant 16 : i32
    %add3A_17 = arith.addi %mul3A_2, %add3A_16 : i32
    %dma_start3A_18 = arith.constant 0 : i32
    %dma_start3A_19 = tpu.memref_slice %arg2[%add3A_17, %dma_start3A_18] : memref<16384x1024xf32, #tpu.memory_space<hbm>> -> memref<8x1024xf32, #tpu.memory_space<hbm>>
    %dma_start3A_20 = arith.constant 0 : i32
    %dma_start3A_21 = tpu.memref_slice %arg2[%add3A_17, %dma_start3A_20] : memref<16384x1024xf32, #tpu.memory_space<hbm>> -> memref<8x1024xf32, #tpu.memory_space<hbm>>
    tpu.enqueue_dma source(%dma_start3A_21 : memref<8x1024xf32, #tpu.memory_space<hbm>>) target(%arg13 : memref<8x1024xf32, #tpu.memory_space<vmem>>) target_semaphore(%arg17 : memref<!tpu.dma_semaphore, #tpu.memory_space<semaphore_mem>>)
    %add3A_22 = arith.constant 24 : i32
    %add3A_23 = arith.addi %mul3A_2, %add3A_22 : i32
    %dma_start3A_24 = arith.constant 0 : i32
    %dma_start3A_25 = tpu.memref_slice %arg2[%add3A_23, %dma_start3A_24] : memref<16384x1024xf32, #tpu.memory_space<hbm>> -> memref<8x1024xf32, #tpu.memory_space<hbm>>
    %dma_start3A_26 = arith.constant 0 : i32
    %dma_start3A_27 = tpu.memref_slice %arg2[%add3A_23, %dma_start3A_26] : memref<16384x1024xf32, #tpu.memory_space<hbm>> -> memref<8x1024xf32, #tpu.memory_space<hbm>>
    tpu.enqueue_dma source(%dma_start3A_27 : memref<8x1024xf32, #tpu.memory_space<hbm>>) target(%arg14 : memref<8x1024xf32, #tpu.memory_space<vmem>>) target_semaphore(%arg18 : memref<!tpu.dma_semaphore, #tpu.memory_space<semaphore_mem>>)
    %dma_wait3A = tpu.memref_slice %arg3[%mul3A_2] : memref<16384xi32, #tpu.memory_space<hbm>> -> memref<512xi32, #tpu.memory_space<hbm>>
    %dma_wait3A_28 = tpu.memref_slice %arg3[%mul3A_2] : memref<16384xi32, #tpu.memory_space<hbm>> -> memref<512xi32, #tpu.memory_space<hbm>>
    tpu.wait_dma2 semaphore(%arg23 : memref<!tpu.dma_semaphore, #tpu.memory_space<semaphore_mem>>) src(%dma_wait3A_28 : memref<512xi32, #tpu.memory_space<hbm>>) dst(%arg6 : memref<512xi32, #tpu.memory_space<vmem>>)
    %dma_start3A_29 = arith.constant 0 : i32
    %dma_start3A_30 = tpu.memref_slice %arg6[%dma_start3A_29] : memref<512xi32, #tpu.memory_space<vmem>> -> memref<8xi32, #tpu.memory_space<vmem>>
    %dma_start3A_31 = arith.constant 0 : i32
    %dma_start3A_32 = arith.constant 0 : i32
    %dma_start3A_33 = tpu.memref_slice %arg4[%dma_start3A_31, %dma_start3A_32] : memref<8192x1024xf32, #tpu.memory_space<hbm>> -> memref<8192x1024xf32, #tpu.memory_space<hbm>>
    tpu.enqueue_indirect_dma source(%dma_start3A_33 : memref<8192x1024xf32, #tpu.memory_space<hbm>>) target(%arg7 : memref<8x1024xf32, #tpu.memory_space<vmem>>) offsets(%dma_start3A_30 : memref<8xi32, #tpu.memory_space<vmem>>) semaphore(%arg15 : memref<!tpu.dma_semaphore, #tpu.memory_space<semaphore_mem>>)
    %dma_start3A_34 = arith.constant 8 : i32
    %dma_start3A_35 = tpu.memref_slice %arg6[%dma_start3A_34] : memref<512xi32, #tpu.memory_space<vmem>> -> memref<8xi32, #tpu.memory_space<vmem>>
    %dma_start3A_36 = arith.constant 0 : i32
    %dma_start3A_37 = arith.constant 0 : i32
    %dma_start3A_38 = tpu.memref_slice %arg4[%dma_start3A_36, %dma_start3A_37] : memref<8192x1024xf32, #tpu.memory_space<hbm>> -> memref<8192x1024xf32, #tpu.memory_space<hbm>>
    tpu.enqueue_indirect_dma source(%dma_start3A_38 : memref<8192x1024xf32, #tpu.memory_space<hbm>>) target(%arg8 : memref<8x1024xf32, #tpu.memory_space<vmem>>) offsets(%dma_start3A_35 : memref<8xi32, #tpu.memory_space<vmem>>) semaphore(%arg16 : memref<!tpu.dma_semaphore, #tpu.memory_space<semaphore_mem>>)
    %dma_start3A_39 = arith.constant 16 : i32
    %dma_start3A_40 = tpu.memref_slice %arg6[%dma_start3A_39] : memref<512xi32, #tpu.memory_space<vmem>> -> memref<8xi32, #tpu.memory_space<vmem>>
    %dma_start3A_41 = arith.constant 0 : i32
    %dma_start3A_42 = arith.constant 0 : i32
    %dma_start3A_43 = tpu.memref_slice %arg4[%dma_start3A_41, %dma_start3A_42] : memref<8192x1024xf32, #tpu.memory_space<hbm>> -> memref<8192x1024xf32, #tpu.memory_space<hbm>>
    tpu.enqueue_indirect_dma source(%dma_start3A_43 : memref<8192x1024xf32, #tpu.memory_space<hbm>>) target(%arg9 : memref<8x1024xf32, #tpu.memory_space<vmem>>) offsets(%dma_start3A_40 : memref<8xi32, #tpu.memory_space<vmem>>) semaphore(%arg17 : memref<!tpu.dma_semaphore, #tpu.memory_space<semaphore_mem>>)
    %dma_start3A_44 = arith.constant 24 : i32
    %dma_start3A_45 = tpu.memref_slice %arg6[%dma_start3A_44] : memref<512xi32, #tpu.memory_space<vmem>> -> memref<8xi32, #tpu.memory_space<vmem>>
    %dma_start3A_46 = arith.constant 0 : i32
    %dma_start3A_47 = arith.constant 0 : i32
    %dma_start3A_48 = tpu.memref_slice %arg4[%dma_start3A_46, %dma_start3A_47] : memref<8192x1024xf32, #tpu.memory_space<hbm>> -> memref<8192x1024xf32, #tpu.memory_space<hbm>>
    tpu.enqueue_indirect_dma source(%dma_start3A_48 : memref<8192x1024xf32, #tpu.memory_space<hbm>>) target(%arg10 : memref<8x1024xf32, #tpu.memory_space<vmem>>) offsets(%dma_start3A_45 : memref<8xi32, #tpu.memory_space<vmem>>) semaphore(%arg18 : memref<!tpu.dma_semaphore, #tpu.memory_space<semaphore_mem>>)
    %scan3A = arith.constant 0 : i32
    %scan3A_49 = arith.constant 16 : i32
    %scan3A_50 = arith.addi %scan3A, %scan3A_49 : i32
    %scan3A_51 = arith.constant 1 : i32
    scf.for %scan3A_69 = %scan3A to %scan3A_50 step %scan3A_51  : i32 {
      %mul3A_70 = arith.constant 4 : i32
      %mul3A_71 = arith.muli %scan3A_69, %mul3A_70 : i32
      %add3A_72 = arith.constant 0 : i32
      %add3A_73 = arith.addi %add3A_72, %mul3A_71 : i32
      %add3A_74 = arith.constant 0 : i32
      %add3A_75 = arith.addi %add3A_73, %add3A_74 : i32
      %ge3A = arith.constant 2 : i32
      %ge3A_76 = arith.cmpi sge, %add3A_75, %ge3A : i32
      %add3A_77 = arith.constant 2 : i32
      %add3A_78 = arith.addi %add3A_75, %add3A_77 : i32
      %lt3A = arith.constant 64 : i32
      %lt3A_79 = arith.cmpi slt, %add3A_78, %lt3A : i32
      %and3A = arith.andi %ge3A_76, %lt3A_79 : i1
      %convert_element_type3A = arith.extui %and3A : i1 to i32
      %cond3A = arith.constant 0 : i32
      %cond3A_80 = arith.cmpi ne, %convert_element_type3A, %cond3A : i32
      scf.if %cond3A_80 {
        %dma_wait3A_197 = arith.constant 0 : i32
        %dma_wait3A_198 = tpu.memref_slice %arg2[%mul3A_2, %dma_wait3A_197] : memref<16384x1024xf32, #tpu.memory_space<hbm>> -> memref<8x1024xf32, #tpu.memory_space<hbm>>
        %dma_wait3A_199 = arith.constant 0 : i32
        %dma_wait3A_200 = tpu.memref_slice %arg2[%mul3A_2, %dma_wait3A_199] : memref<16384x1024xf32, #tpu.memory_space<hbm>> -> memref<8x1024xf32, #tpu.memory_space<hbm>>
        tpu.wait_dma2 semaphore(%arg21 : memref<!tpu.dma_semaphore, #tpu.memory_space<semaphore_mem>>) src(%dma_wait3A_200 : memref<8x1024xf32, #tpu.memory_space<hbm>>) dst(%arg13 : memref<8x1024xf32, #tpu.memory_space<vmem>>)
        %add3A_201 = arith.constant 2 : i32
        %add3A_202 = arith.addi %add3A_75, %add3A_201 : i32
        %mul3A_203 = arith.constant 8 : i32
        %mul3A_204 = arith.muli %add3A_202, %mul3A_203 : i32
        %add3A_205 = arith.addi %mul3A_2, %mul3A_204 : i32
        %dma_start3A_206 = arith.constant 0 : i32
        %dma_start3A_207 = tpu.memref_slice %arg2[%add3A_205, %dma_start3A_206] : memref<16384x1024xf32, #tpu.memory_space<hbm>> -> memref<8x1024xf32, #tpu.memory_space<hbm>>
        %dma_start3A_208 = arith.constant 0 : i32
        %dma_start3A_209 = tpu.memref_slice %arg2[%add3A_205, %dma_start3A_208] : memref<16384x1024xf32, #tpu.memory_space<hbm>> -> memref<8x1024xf32, #tpu.memory_space<hbm>>
        tpu.enqueue_dma source(%dma_start3A_209 : memref<8x1024xf32, #tpu.memory_space<hbm>>) target(%arg13 : memref<8x1024xf32, #tpu.memory_space<vmem>>) target_semaphore(%arg17 : memref<!tpu.dma_semaphore, #tpu.memory_space<semaphore_mem>>)
        %mul3A_210 = arith.constant 8 : i32
        %mul3A_211 = arith.muli %add3A_202, %mul3A_210 : i32
        %dma_start3A_212 = tpu.memref_slice %arg6[%mul3A_211] : memref<512xi32, #tpu.memory_space<vmem>> -> memref<8xi32, #tpu.memory_space<vmem>>
        %dma_start3A_213 = arith.constant 0 : i32
        %dma_start3A_214 = arith.constant 0 : i32
        %dma_start3A_215 = tpu.memref_slice %arg4[%dma_start3A_213, %dma_start3A_214] : memref<8192x1024xf32, #tpu.memory_space<hbm>> -> memref<8192x1024xf32, #tpu.memory_space<hbm>>
        tpu.enqueue_indirect_dma source(%dma_start3A_215 : memref<8192x1024xf32, #tpu.memory_space<hbm>>) target(%arg9 : memref<8x1024xf32, #tpu.memory_space<vmem>>) offsets(%dma_start3A_212 : memref<8xi32, #tpu.memory_space<vmem>>) semaphore(%arg17 : memref<!tpu.dma_semaphore, #tpu.memory_space<semaphore_mem>>)
      } else {
      }
      %dma_wait3A_81 = arith.constant 0 : i32
      %dma_wait3A_82 = tpu.memref_slice %arg2[%mul3A_2, %dma_wait3A_81] : memref<16384x1024xf32, #tpu.memory_space<hbm>> -> memref<8x1024xf32, #tpu.memory_space<hbm>>
      %dma_wait3A_83 = arith.constant 0 : i32
      %dma_wait3A_84 = tpu.memref_slice %arg2[%mul3A_2, %dma_wait3A_83] : memref<16384x1024xf32, #tpu.memory_space<hbm>> -> memref<8x1024xf32, #tpu.memory_space<hbm>>
      tpu.wait_dma2 semaphore(%arg15 : memref<!tpu.dma_semaphore, #tpu.memory_space<semaphore_mem>>) src(%dma_wait3A_84 : memref<8x1024xf32, #tpu.memory_space<hbm>>) dst(%arg7 : memref<8x1024xf32, #tpu.memory_space<vmem>>)
      %dma_wait3A_85 = arith.constant 0 : i32
      %dma_wait3A_86 = tpu.memref_slice %arg2[%mul3A_2, %dma_wait3A_85] : memref<16384x1024xf32, #tpu.memory_space<hbm>> -> memref<8x1024xf32, #tpu.memory_space<hbm>>
      %dma_wait3A_87 = arith.constant 0 : i32
      %dma_wait3A_88 = tpu.memref_slice %arg2[%mul3A_2, %dma_wait3A_87] : memref<16384x1024xf32, #tpu.memory_space<hbm>> -> memref<8x1024xf32, #tpu.memory_space<hbm>>
      tpu.wait_dma2 semaphore(%arg15 : memref<!tpu.dma_semaphore, #tpu.memory_space<semaphore_mem>>) src(%dma_wait3A_88 : memref<8x1024xf32, #tpu.memory_space<hbm>>) dst(%arg11 : memref<8x1024xf32, #tpu.memory_space<vmem>>)
      %scan3A_89 = arith.constant 0 : i32
      %scan3A_90 = arith.constant 8 : i32
      %scan3A_91 = arith.addi %scan3A_89, %scan3A_90 : i32
      %scan3A_92 = arith.constant 1 : i32
      scf.for %scan3A_197 = %scan3A_89 to %scan3A_91 step %scan3A_92  : i32 {
        %mul3A_198 = arith.constant 1 : i32
        %mul3A_199 = arith.muli %scan3A_197, %mul3A_198 : i32
        %add3A_200 = arith.constant 0 : i32
        %add3A_201 = arith.addi %add3A_200, %mul3A_199 : i32
        %scan3A_202 = arith.constant 0 : i32
        %scan3A_203 = arith.constant 64 : i32
        %scan3A_204 = arith.addi %scan3A_202, %scan3A_203 : i32
        %scan3A_205 = arith.constant 16 : i32
        scf.for %scan3A_207 = %scan3A_202 to %scan3A_204 step %scan3A_205  : i32 {
          %mul3A_208 = arith.constant 1 : i32
          %mul3A_209 = arith.muli %scan3A_207, %mul3A_208 : i32
          %add3A_210 = arith.constant 0 : i32
          %add3A_211 = arith.addi %add3A_210, %mul3A_209 : i32
          %mul3A_212 = arith.constant 16 : i32
          %mul3A_213 = arith.muli %add3A_211, %mul3A_212 : i32
          %get3A = arith.index_cast %add3A_201 : i32 to index
          %get3A_214 = arith.index_cast %mul3A_213 : i32 to index
          %get3A_215 = tpu.vector_load %arg7[%get3A, %get3A_214] {strides = array<i32>} : memref<8x1024xf32, #tpu.memory_space<vmem>>, vector<1x16xf32>,
          %get3A_216 = vector.shape_cast %get3A_215 : vector<1x16xf32> to vector<16xf32>
          %swap3A = arith.index_cast %add3A_201 : i32 to index
          %swap3A_217 = arith.index_cast %mul3A_213 : i32 to index
          %swap3A_218 = tpu.vector_load %arg11[%swap3A, %swap3A_217] {strides = array<i32>} : memref<8x1024xf32, #tpu.memory_space<vmem>>, vector<1x16xf32>,
          %swap3A_219 = vector.shape_cast %swap3A_218 : vector<1x16xf32> to vector<16xf32>
          %swap3A_220 = vector.shape_cast %get3A_216 : vector<16xf32> to vector<1x16xf32>
          tpu.vector_store %arg11[%swap3A, %swap3A_217], %swap3A_220 {add = true, strides = array<i32>} : memref<8x1024xf32, #tpu.memory_space<vmem>>, vector<1x16xf32>,
          %scan3A_221 = arith.constant 1 : i32
          %scan3A_222 = arith.addi %scan3A_207, %scan3A_221 : i32
          %mul3A_223 = arith.constant 1 : i32
          %mul3A_224 = arith.muli %scan3A_222, %mul3A_223 : i32
          %add3A_225 = arith.constant 0 : i32
          %add3A_226 = arith.addi %add3A_225, %mul3A_224 : i32
          %mul3A_227 = arith.constant 16 : i32
          %mul3A_228 = arith.muli %add3A_226, %mul3A_227 : i32
          %get3A_229 = arith.index_cast %add3A_201 : i32 to index
          %get3A_230 = arith.index_cast %mul3A_228 : i32 to index
          %get3A_231 = tpu.vector_load %arg7[%get3A_229, %get3A_230] {strides = array<i32>} : memref<8x1024xf32, #tpu.memory_space<vmem>>, vector<1x16xf32>,
          %get3A_232 = vector.shape_cast %get3A_231 : vector<1x16xf32> to vector<16xf32>
          %swap3A_233 = arith.index_cast %add3A_201 : i32 to index
          %swap3A_234 = arith.index_cast %mul3A_228 : i32 to index
          %swap3A_235 = tpu.vector_load %arg11[%swap3A_233, %swap3A_234] {strides = array<i32>} : memref<8x1024xf32, #tpu.memory_space<vmem>>, vector<1x16xf32>,
          %swap3A_236 = vector.shape_cast %swap3A_235 : vector<1x16xf32> to vector<16xf32>
          %swap3A_237 = vector.shape_cast %get3A_232 : vector<16xf32> to vector<1x16xf32>
          tpu.vector_store %arg11[%swap3A_233, %swap3A_234], %swap3A_237 {add = true, strides = array<i32>} : memref<8x1024xf32, #tpu.memory_space<vmem>>, vector<1x16xf32>,
          %scan3A_238 = arith.constant 2 : i32
          %scan3A_239 = arith.addi %scan3A_207, %scan3A_238 : i32
          %mul3A_240 = arith.constant 1 : i32
          %mul3A_241 = arith.muli %scan3A_239, %mul3A_240 : i32
          %add3A_242 = arith.constant 0 : i32
          %add3A_243 = arith.addi %add3A_242, %mul3A_241 : i32
          %mul3A_244 = arith.constant 16 : i32
          %mul3A_245 = arith.muli %add3A_243, %mul3A_244 : i32
          %get3A_246 = arith.index_cast %add3A_201 : i32 to index
          %get3A_247 = arith.index_cast %mul3A_245 : i32 to index
          %get3A_248 = tpu.vector_load %arg7[%get3A_246, %get3A_247] {strides = array<i32>} : memref<8x1024xf32, #tpu.memory_space<vmem>>, vector<1x16xf32>,
          %get3A_249 = vector.shape_cast %get3A_248 : vector<1x16xf32> to vector<16xf32>
          %swap3A_250 = arith.index_cast %add3A_201 : i32 to index
          %swap3A_251 = arith.index_cast %mul3A_245 : i32 to index
          %swap3A_252 = tpu.vector_load %arg11[%swap3A_250, %swap3A_251] {strides = array<i32>} : memref<8x1024xf32, #tpu.memory_space<vmem>>, vector<1x16xf32>,
          %swap3A_253 = vector.shape_cast %swap3A_252 : vector<1x16xf32> to vector<16xf32>
          %swap3A_254 = vector.shape_cast %get3A_249 : vector<16xf32> to vector<1x16xf32>
          tpu.vector_store %arg11[%swap3A_250, %swap3A_251], %swap3A_254 {add = true, strides = array<i32>} : memref<8x1024xf32, #tpu.memory_space<vmem>>, vector<1x16xf32>,
          %scan3A_255 = arith.constant 3 : i32
          %scan3A_256 = arith.addi %scan3A_207, %scan3A_255 : i32
          %mul3A_257 = arith.constant 1 : i32
          %mul3A_258 = arith.muli %scan3A_256, %mul3A_257 : i32
          %add3A_259 = arith.constant 0 : i32
          %add3A_260 = arith.addi %add3A_259, %mul3A_258 : i32
          %mul3A_261 = arith.constant 16 : i32
          %mul3A_262 = arith.muli %add3A_260, %mul3A_261 : i32
          %get3A_263 = arith.index_cast %add3A_201 : i32 to index
          %get3A_264 = arith.index_cast %mul3A_262 : i32 to index
          %get3A_265 = tpu.vector_load %arg7[%get3A_263, %get3A_264] {strides = array<i32>} : memref<8x1024xf32, #tpu.memory_space<vmem>>, vector<1x16xf32>,
          %get3A_266 = vector.shape_cast %get3A_265 : vector<1x16xf32> to vector<16xf32>
          %swap3A_267 = arith.index_cast %add3A_201 : i32 to index
          %swap3A_268 = arith.index_cast %mul3A_262 : i32 to index
          %swap3A_269 = tpu.vector_load %arg11[%swap3A_267, %swap3A_268] {strides = array<i32>} : memref<8x1024xf32, #tpu.memory_space<vmem>>, vector<1x16xf32>,
          %swap3A_270 = vector.shape_cast %swap3A_269 : vector<1x16xf32> to vector<16xf32>
          %swap3A_271 = vector.shape_cast %get3A_266 : vector<16xf32> to vector<1x16xf32>
          tpu.vector_store %arg11[%swap3A_267, %swap3A_268], %swap3A_271 {add = true, strides = array<i32>} : memref<8x1024xf32, #tpu.memory_space<vmem>>, vector<1x16xf32>,
          %scan3A_272 = arith.constant 4 : i32
          %scan3A_273 = arith.addi %scan3A_207, %scan3A_272 : i32
          %mul3A_274 = arith.constant 1 : i32
          %mul3A_275 = arith.muli %scan3A_273, %mul3A_274 : i32
          %add3A_276 = arith.constant 0 : i32
          %add3A_277 = arith.addi %add3A_276, %mul3A_275 : i32
          %mul3A_278 = arith.constant 16 : i32
          %mul3A_279 = arith.muli %add3A_277, %mul3A_278 : i32
          %get3A_280 = arith.index_cast %add3A_201 : i32 to index
          %get3A_281 = arith.index_cast %mul3A_279 : i32 to index
          %get3A_282 = tpu.vector_load %arg7[%get3A_280, %get3A_281] {strides = array<i32>} : memref<8x1024xf32, #tpu.memory_space<vmem>>, vector<1x16xf32>,
          %get3A_283 = vector.shape_cast %get3A_282 : vector<1x16xf32> to vector<16xf32>
          %swap3A_284 = arith.index_cast %add3A_201 : i32 to index
          %swap3A_285 = arith.index_cast %mul3A_279 : i32 to index
          %swap3A_286 = tpu.vector_load %arg11[%swap3A_284, %swap3A_285] {strides = array<i32>} : memref<8x1024xf32, #tpu.memory_space<vmem>>, vector<1x16xf32>,
          %swap3A_287 = vector.shape_cast %swap3A_286 : vector<1x16xf32> to vector<16xf32>
          %swap3A_288 = vector.shape_cast %get3A_283 : vector<16xf32> to vector<1x16xf32>
          tpu.vector_store %arg11[%swap3A_284, %swap3A_285], %swap3A_288 {add = true, strides = array<i32>} : memref<8x1024xf32, #tpu.memory_space<vmem>>, vector<1x16xf32>,
          %scan3A_289 = arith.constant 5 : i32
          %scan3A_290 = arith.addi %scan3A_207, %scan3A_289 : i32
          %mul3A_291 = arith.constant 1 : i32
          %mul3A_292 = arith.muli %scan3A_290, %mul3A_291 : i32
          %add3A_293 = arith.constant 0 : i32
          %add3A_294 = arith.addi %add3A_293, %mul3A_292 : i32
          %mul3A_295 = arith.constant 16 : i32
          %mul3A_296 = arith.muli %add3A_294, %mul3A_295 : i32
          %get3A_297 = arith.index_cast %add3A_201 : i32 to index
          %get3A_298 = arith.index_cast %mul3A_296 : i32 to index
          %get3A_299 = tpu.vector_load %arg7[%get3A_297, %get3A_298] {strides = array<i32>} : memref<8x1024xf32, #tpu.memory_space<vmem>>, vector<1x16xf32>,
          %get3A_300 = vector.shape_cast %get3A_299 : vector<1x16xf32> to vector<16xf32>
          %swap3A_301 = arith.index_cast %add3A_201 : i32 to index
          %swap3A_302 = arith.index_cast %mul3A_296 : i32 to index
          %swap3A_303 = tpu.vector_load %arg11[%swap3A_301, %swap3A_302] {strides = array<i32>} : memref<8x1024xf32, #tpu.memory_space<vmem>>, vector<1x16xf32>,
          %swap3A_304 = vector.shape_cast %swap3A_303 : vector<1x16xf32> to vector<16xf32>
          %swap3A_305 = vector.shape_cast %get3A_300 : vector<16xf32> to vector<1x16xf32>
          tpu.vector_store %arg11[%swap3A_301, %swap3A_302], %swap3A_305 {add = true, strides = array<i32>} : memref<8x1024xf32, #tpu.memory_space<vmem>>, vector<1x16xf32>,
          %scan3A_306 = arith.constant 6 : i32
          %scan3A_307 = arith.addi %scan3A_207, %scan3A_306 : i32
          %mul3A_308 = arith.constant 1 : i32
          %mul3A_309 = arith.muli %scan3A_307, %mul3A_308 : i32
          %add3A_310 = arith.constant 0 : i32
          %add3A_311 = arith.addi %add3A_310, %mul3A_309 : i32
          %mul3A_312 = arith.constant 16 : i32
          %mul3A_313 = arith.muli %add3A_311, %mul3A_312 : i32
          %get3A_314 = arith.index_cast %add3A_201 : i32 to index
          %get3A_315 = arith.index_cast %mul3A_313 : i32 to index
          %get3A_316 = tpu.vector_load %arg7[%get3A_314, %get3A_315] {strides = array<i32>} : memref<8x1024xf32, #tpu.memory_space<vmem>>, vector<1x16xf32>,
          %get3A_317 = vector.shape_cast %get3A_316 : vector<1x16xf32> to vector<16xf32>
          %swap3A_318 = arith.index_cast %add3A_201 : i32 to index
          %swap3A_319 = arith.index_cast %mul3A_313 : i32 to index
          %swap3A_320 = tpu.vector_load %arg11[%swap3A_318, %swap3A_319] {strides = array<i32>} : memref<8x1024xf32, #tpu.memory_space<vmem>>, vector<1x16xf32>,
          %swap3A_321 = vector.shape_cast %swap3A_320 : vector<1x16xf32> to vector<16xf32>
          %swap3A_322 = vector.shape_cast %get3A_317 : vector<16xf32> to vector<1x16xf32>
          tpu.vector_store %arg11[%swap3A_318, %swap3A_319], %swap3A_322 {add = true, strides = array<i32>} : memref<8x1024xf32, #tpu.memory_space<vmem>>, vector<1x16xf32>,
          %scan3A_323 = arith.constant 7 : i32
          %scan3A_324 = arith.addi %scan3A_207, %scan3A_323 : i32
          %mul3A_325 = arith.constant 1 : i32
          %mul3A_326 = arith.muli %scan3A_324, %mul3A_325 : i32
          %add3A_327 = arith.constant 0 : i32
          %add3A_328 = arith.addi %add3A_327, %mul3A_326 : i32
          %mul3A_329 = arith.constant 16 : i32
          %mul3A_330 = arith.muli %add3A_328, %mul3A_329 : i32
          %get3A_331 = arith.index_cast %add3A_201 : i32 to index
          %get3A_332 = arith.index_cast %mul3A_330 : i32 to index
          %get3A_333 = tpu.vector_load %arg7[%get3A_331, %get3A_332] {strides = array<i32>} : memref<8x1024xf32, #tpu.memory_space<vmem>>, vector<1x16xf32>,
          %get3A_334 = vector.shape_cast %get3A_333 : vector<1x16xf32> to vector<16xf32>
          %swap3A_335 = arith.index_cast %add3A_201 : i32 to index
          %swap3A_336 = arith.index_cast %mul3A_330 : i32 to index
          %swap3A_337 = tpu.vector_load %arg11[%swap3A_335, %swap3A_336] {strides = array<i32>} : memref<8x1024xf32, #tpu.memory_space<vmem>>, vector<1x16xf32>,
          %swap3A_338 = vector.shape_cast %swap3A_337 : vector<1x16xf32> to vector<16xf32>
          %swap3A_339 = vector.shape_cast %get3A_334 : vector<16xf32> to vector<1x16xf32>
          tpu.vector_store %arg11[%swap3A_335, %swap3A_336], %swap3A_339 {add = true, strides = array<i32>} : memref<8x1024xf32, #tpu.memory_space<vmem>>, vector<1x16xf32>,
          %scan3A_340 = arith.constant 8 : i32
          %scan3A_341 = arith.addi %scan3A_207, %scan3A_340 : i32
          %mul3A_342 = arith.constant 1 : i32
          %mul3A_343 = arith.muli %scan3A_341, %mul3A_342 : i32
          %add3A_344 = arith.constant 0 : i32
          %add3A_345 = arith.addi %add3A_344, %mul3A_343 : i32
          %mul3A_346 = arith.constant 16 : i32
          %mul3A_347 = arith.muli %add3A_345, %mul3A_346 : i32
          %get3A_348 = arith.index_cast %add3A_201 : i32 to index
          %get3A_349 = arith.index_cast %mul3A_347 : i32 to index
          %get3A_350 = tpu.vector_load %arg7[%get3A_348, %get3A_349] {strides = array<i32>} : memref<8x1024xf32, #tpu.memory_space<vmem>>, vector<1x16xf32>,
          %get3A_351 = vector.shape_cast %get3A_350 : vector<1x16xf32> to vector<16xf32>
          %swap3A_352 = arith.index_cast %add3A_201 : i32 to index
          %swap3A_353 = arith.index_cast %mul3A_347 : i32 to index
          %swap3A_354 = tpu.vector_load %arg11[%swap3A_352, %swap3A_353] {strides = array<i32>} : memref<8x1024xf32, #tpu.memory_space<vmem>>, vector<1x16xf32>,
          %swap3A_355 = vector.shape_cast %swap3A_354 : vector<1x16xf32> to vector<16xf32>
          %swap3A_356 = vector.shape_cast %get3A_351 : vector<16xf32> to vector<1x16xf32>
          tpu.vector_store %arg11[%swap3A_352, %swap3A_353], %swap3A_356 {add = true, strides = array<i32>} : memref<8x1024xf32, #tpu.memory_space<vmem>>, vector<1x16xf32>,
          %scan3A_357 = arith.constant 9 : i32
          %scan3A_358 = arith.addi %scan3A_207, %scan3A_357 : i32
          %mul3A_359 = arith.constant 1 : i32
          %mul3A_360 = arith.muli %scan3A_358, %mul3A_359 : i32
          %add3A_361 = arith.constant 0 : i32
          %add3A_362 = arith.addi %add3A_361, %mul3A_360 : i32
          %mul3A_363 = arith.constant 16 : i32
          %mul3A_364 = arith.muli %add3A_362, %mul3A_363 : i32
          %get3A_365 = arith.index_cast %add3A_201 : i32 to index
          %get3A_366 = arith.index_cast %mul3A_364 : i32 to index
          %get3A_367 = tpu.vector_load %arg7[%get3A_365, %get3A_366] {strides = array<i32>} : memref<8x1024xf32, #tpu.memory_space<vmem>>, vector<1x16xf32>,
          %get3A_368 = vector.shape_cast %get3A_367 : vector<1x16xf32> to vector<16xf32>
          %swap3A_369 = arith.index_cast %add3A_201 : i32 to index
          %swap3A_370 = arith.index_cast %mul3A_364 : i32 to index
          %swap3A_371 = tpu.vector_load %arg11[%swap3A_369, %swap3A_370] {strides = array<i32>} : memref<8x1024xf32, #tpu.memory_space<vmem>>, vector<1x16xf32>,
          %swap3A_372 = vector.shape_cast %swap3A_371 : vector<1x16xf32> to vector<16xf32>
          %swap3A_373 = vector.shape_cast %get3A_368 : vector<16xf32> to vector<1x16xf32>
          tpu.vector_store %arg11[%swap3A_369, %swap3A_370], %swap3A_373 {add = true, strides = array<i32>} : memref<8x1024xf32, #tpu.memory_space<vmem>>, vector<1x16xf32>,
          %scan3A_374 = arith.constant 10 : i32
          %scan3A_375 = arith.addi %scan3A_207, %scan3A_374 : i32
          %mul3A_376 = arith.constant 1 : i32
          %mul3A_377 = arith.muli %scan3A_375, %mul3A_376 : i32
          %add3A_378 = arith.constant 0 : i32
          %add3A_379 = arith.addi %add3A_378, %mul3A_377 : i32
          %mul3A_380 = arith.constant 16 : i32
          %mul3A_381 = arith.muli %add3A_379, %mul3A_380 : i32
          %get3A_382 = arith.index_cast %add3A_201 : i32 to index
          %get3A_383 = arith.index_cast %mul3A_381 : i32 to index
          %get3A_384 = tpu.vector_load %arg7[%get3A_382, %get3A_383] {strides = array<i32>} : memref<8x1024xf32, #tpu.memory_space<vmem>>, vector<1x16xf32>,
          %get3A_385 = vector.shape_cast %get3A_384 : vector<1x16xf32> to vector<16xf32>
          %swap3A_386 = arith.index_cast %add3A_201 : i32 to index
          %swap3A_387 = arith.index_cast %mul3A_381 : i32 to index
          %swap3A_388 = tpu.vector_load %arg11[%swap3A_386, %swap3A_387] {strides = array<i32>} : memref<8x1024xf32, #tpu.memory_space<vmem>>, vector<1x16xf32>,
          %swap3A_389 = vector.shape_cast %swap3A_388 : vector<1x16xf32> to vector<16xf32>
          %swap3A_390 = vector.shape_cast %get3A_385 : vector<16xf32> to vector<1x16xf32>
          tpu.vector_store %arg11[%swap3A_386, %swap3A_387], %swap3A_390 {add = true, strides = array<i32>} : memref<8x1024xf32, #tpu.memory_space<vmem>>, vector<1x16xf32>,
          %scan3A_391 = arith.constant 11 : i32
          %scan3A_392 = arith.addi %scan3A_207, %scan3A_391 : i32
          %mul3A_393 = arith.constant 1 : i32
          %mul3A_394 = arith.muli %scan3A_392, %mul3A_393 : i32
          %add3A_395 = arith.constant 0 : i32
          %add3A_396 = arith.addi %add3A_395, %mul3A_394 : i32
          %mul3A_397 = arith.constant 16 : i32
          %mul3A_398 = arith.muli %add3A_396, %mul3A_397 : i32
          %get3A_399 = arith.index_cast %add3A_201 : i32 to index
          %get3A_400 = arith.index_cast %mul3A_398 : i32 to index
          %get3A_401 = tpu.vector_load %arg7[%get3A_399, %get3A_400] {strides = array<i32>} : memref<8x1024xf32, #tpu.memory_space<vmem>>, vector<1x16xf32>,
          %get3A_402 = vector.shape_cast %get3A_401 : vector<1x16xf32> to vector<16xf32>
          %swap3A_403 = arith.index_cast %add3A_201 : i32 to index
          %swap3A_404 = arith.index_cast %mul3A_398 : i32 to index
          %swap3A_405 = tpu.vector_load %arg11[%swap3A_403, %swap3A_404] {strides = array<i32>} : memref<8x1024xf32, #tpu.memory_space<vmem>>, vector<1x16xf32>,
          %swap3A_406 = vector.shape_cast %swap3A_405 : vector<1x16xf32> to vector<16xf32>
          %swap3A_407 = vector.shape_cast %get3A_402 : vector<16xf32> to vector<1x16xf32>
          tpu.vector_store %arg11[%swap3A_403, %swap3A_404], %swap3A_407 {add = true, strides = array<i32>} : memref<8x1024xf32, #tpu.memory_space<vmem>>, vector<1x16xf32>,
          %scan3A_408 = arith.constant 12 : i32
          %scan3A_409 = arith.addi %scan3A_207, %scan3A_408 : i32
          %mul3A_410 = arith.constant 1 : i32
          %mul3A_411 = arith.muli %scan3A_409, %mul3A_410 : i32
          %add3A_412 = arith.constant 0 : i32
          %add3A_413 = arith.addi %add3A_412, %mul3A_411 : i32
          %mul3A_414 = arith.constant 16 : i32
          %mul3A_415 = arith.muli %add3A_413, %mul3A_414 : i32
          %get3A_416 = arith.index_cast %add3A_201 : i32 to index
          %get3A_417 = arith.index_cast %mul3A_415 : i32 to index
          %get3A_418 = tpu.vector_load %arg7[%get3A_416, %get3A_417] {strides = array<i32>} : memref<8x1024xf32, #tpu.memory_space<vmem>>, vector<1x16xf32>,
          %get3A_419 = vector.shape_cast %get3A_418 : vector<1x16xf32> to vector<16xf32>
          %swap3A_420 = arith.index_cast %add3A_201 : i32 to index
          %swap3A_421 = arith.index_cast %mul3A_415 : i32 to index
          %swap3A_422 = tpu.vector_load %arg11[%swap3A_420, %swap3A_421] {strides = array<i32>} : memref<8x1024xf32, #tpu.memory_space<vmem>>, vector<1x16xf32>,
          %swap3A_423 = vector.shape_cast %swap3A_422 : vector<1x16xf32> to vector<16xf32>
          %swap3A_424 = vector.shape_cast %get3A_419 : vector<16xf32> to vector<1x16xf32>
          tpu.vector_store %arg11[%swap3A_420, %swap3A_421], %swap3A_424 {add = true, strides = array<i32>} : memref<8x1024xf32, #tpu.memory_space<vmem>>, vector<1x16xf32>,
          %scan3A_425 = arith.constant 13 : i32
          %scan3A_426 = arith.addi %scan3A_207, %scan3A_425 : i32
          %mul3A_427 = arith.constant 1 : i32
          %mul3A_428 = arith.muli %scan3A_426, %mul3A_427 : i32
          %add3A_429 = arith.constant 0 : i32
          %add3A_430 = arith.addi %add3A_429, %mul3A_428 : i32
          %mul3A_431 = arith.constant 16 : i32
          %mul3A_432 = arith.muli %add3A_430, %mul3A_431 : i32
          %get3A_433 = arith.index_cast %add3A_201 : i32 to index
          %get3A_434 = arith.index_cast %mul3A_432 : i32 to index
          %get3A_435 = tpu.vector_load %arg7[%get3A_433, %get3A_434] {strides = array<i32>} : memref<8x1024xf32, #tpu.memory_space<vmem>>, vector<1x16xf32>,
          %get3A_436 = vector.shape_cast %get3A_435 : vector<1x16xf32> to vector<16xf32>
          %swap3A_437 = arith.index_cast %add3A_201 : i32 to index
          %swap3A_438 = arith.index_cast %mul3A_432 : i32 to index
          %swap3A_439 = tpu.vector_load %arg11[%swap3A_437, %swap3A_438] {strides = array<i32>} : memref<8x1024xf32, #tpu.memory_space<vmem>>, vector<1x16xf32>,
          %swap3A_440 = vector.shape_cast %swap3A_439 : vector<1x16xf32> to vector<16xf32>
          %swap3A_441 = vector.shape_cast %get3A_436 : vector<16xf32> to vector<1x16xf32>
          tpu.vector_store %arg11[%swap3A_437, %swap3A_438], %swap3A_441 {add = true, strides = array<i32>} : memref<8x1024xf32, #tpu.memory_space<vmem>>, vector<1x16xf32>,
          %scan3A_442 = arith.constant 14 : i32
          %scan3A_443 = arith.addi %scan3A_207, %scan3A_442 : i32
          %mul3A_444 = arith.constant 1 : i32
          %mul3A_445 = arith.muli %scan3A_443, %mul3A_444 : i32
          %add3A_446 = arith.constant 0 : i32
          %add3A_447 = arith.addi %add3A_446, %mul3A_445 : i32
          %mul3A_448 = arith.constant 16 : i32
          %mul3A_449 = arith.muli %add3A_447, %mul3A_448 : i32
          %get3A_450 = arith.index_cast %add3A_201 : i32 to index
          %get3A_451 = arith.index_cast %mul3A_449 : i32 to index
          %get3A_452 = tpu.vector_load %arg7[%get3A_450, %get3A_451] {strides = array<i32>} : memref<8x1024xf32, #tpu.memory_space<vmem>>, vector<1x16xf32>,
          %get3A_453 = vector.shape_cast %get3A_452 : vector<1x16xf32> to vector<16xf32>
          %swap3A_454 = arith.index_cast %add3A_201 : i32 to index
          %swap3A_455 = arith.index_cast %mul3A_449 : i32 to index
          %swap3A_456 = tpu.vector_load %arg11[%swap3A_454, %swap3A_455] {strides = array<i32>} : memref<8x1024xf32, #tpu.memory_space<vmem>>, vector<1x16xf32>,
          %swap3A_457 = vector.shape_cast %swap3A_456 : vector<1x16xf32> to vector<16xf32>
          %swap3A_458 = vector.shape_cast %get3A_453 : vector<16xf32> to vector<1x16xf32>
          tpu.vector_store %arg11[%swap3A_454, %swap3A_455], %swap3A_458 {add = true, strides = array<i32>} : memref<8x1024xf32, #tpu.memory_space<vmem>>, vector<1x16xf32>,
          %scan3A_459 = arith.constant 15 : i32
          %scan3A_460 = arith.addi %scan3A_207, %scan3A_459 : i32
          %mul3A_461 = arith.constant 1 : i32
          %mul3A_462 = arith.muli %scan3A_460, %mul3A_461 : i32
          %add3A_463 = arith.constant 0 : i32
          %add3A_464 = arith.addi %add3A_463, %mul3A_462 : i32
          %mul3A_465 = arith.constant 16 : i32
          %mul3A_466 = arith.muli %add3A_464, %mul3A_465 : i32
          %get3A_467 = arith.index_cast %add3A_201 : i32 to index
          %get3A_468 = arith.index_cast %mul3A_466 : i32 to index
          %get3A_469 = tpu.vector_load %arg7[%get3A_467, %get3A_468] {strides = array<i32>} : memref<8x1024xf32, #tpu.memory_space<vmem>>, vector<1x16xf32>,
          %get3A_470 = vector.shape_cast %get3A_469 : vector<1x16xf32> to vector<16xf32>
          %swap3A_471 = arith.index_cast %add3A_201 : i32 to index
          %swap3A_472 = arith.index_cast %mul3A_466 : i32 to index
          %swap3A_473 = tpu.vector_load %arg11[%swap3A_471, %swap3A_472] {strides = array<i32>} : memref<8x1024xf32, #tpu.memory_space<vmem>>, vector<1x16xf32>,
          %swap3A_474 = vector.shape_cast %swap3A_473 : vector<1x16xf32> to vector<16xf32>
          %swap3A_475 = vector.shape_cast %get3A_470 : vector<16xf32> to vector<1x16xf32>
          tpu.vector_store %arg11[%swap3A_471, %swap3A_472], %swap3A_475 {add = true, strides = array<i32>} : memref<8x1024xf32, #tpu.memory_space<vmem>>, vector<1x16xf32>,
        }
        %scan3A_206 = arith.constant 64 : i32
      }
      %scan3A_93 = arith.constant 8 : i32
      %mul3A_94 = arith.constant 8 : i32
      %mul3A_95 = arith.muli %add3A_75, %mul3A_94 : i32
      %add3A_96 = arith.addi %mul3A_2, %mul3A_95 : i32
      %dma_start3A_97 = arith.constant 0 : i32
      %dma_start3A_98 = tpu.memref_slice %arg5[%add3A_96, %dma_start3A_97] : memref<16384x1024xf32, #tpu.memory_space<hbm>> -> memref<8x1024xf32, #tpu.memory_space<hbm>>
      %dma_start3A_99 = arith.constant 0 : i32
      %dma_start3A_100 = tpu.memref_slice %arg5[%add3A_96, %dma_start3A_99] : memref<16384x1024xf32, #tpu.memory_space<hbm>> -> memref<8x1024xf32, #tpu.memory_space<hbm>>
      tpu.enqueue_dma source(%arg11 : memref<8x1024xf32, #tpu.memory_space<vmem>>) target(%dma_start3A_100 : memref<8x1024xf32, #tpu.memory_space<hbm>>) target_semaphore(%arg19 : memref<!tpu.dma_semaphore, #tpu.memory_space<semaphore_mem>>)
      %add3A_101 = arith.constant 1 : i32
      %add3A_102 = arith.addi %add3A_73, %add3A_101 : i32
      %ge3A_103 = arith.constant 2 : i32
      %ge3A_104 = arith.cmpi sge, %add3A_102, %ge3A_103 : i32
      %add3A_105 = arith.constant 2 : i32
      %add3A_106 = arith.addi %add3A_102, %add3A_105 : i32
      %lt3A_107 = arith.constant 64 : i32
      %lt3A_108 = arith.cmpi slt, %add3A_106, %lt3A_107 : i32
      %and3A_109 = arith.andi %ge3A_104, %lt3A_108 : i1
      %convert_element_type3A_110 = arith.extui %and3A_109 : i1 to i32
      %cond3A_111 = arith.constant 0 : i32
      %cond3A_112 = arith.cmpi ne, %convert_element_type3A_110, %cond3A_111 : i32
      scf.if %cond3A_112 {
        %dma_wait3A_197 = arith.constant 0 : i32
        %dma_wait3A_198 = tpu.memref_slice %arg2[%mul3A_2, %dma_wait3A_197] : memref<16384x1024xf32, #tpu.memory_space<hbm>> -> memref<8x1024xf32, #tpu.memory_space<hbm>>
        %dma_wait3A_199 = arith.constant 0 : i32
        %dma_wait3A_200 = tpu.memref_slice %arg2[%mul3A_2, %dma_wait3A_199] : memref<16384x1024xf32, #tpu.memory_space<hbm>> -> memref<8x1024xf32, #tpu.memory_space<hbm>>
        tpu.wait_dma2 semaphore(%arg22 : memref<!tpu.dma_semaphore, #tpu.memory_space<semaphore_mem>>) src(%dma_wait3A_200 : memref<8x1024xf32, #tpu.memory_space<hbm>>) dst(%arg14 : memref<8x1024xf32, #tpu.memory_space<vmem>>)
        %add3A_201 = arith.constant 2 : i32
        %add3A_202 = arith.addi %add3A_102, %add3A_201 : i32
        %mul3A_203 = arith.constant 8 : i32
        %mul3A_204 = arith.muli %add3A_202, %mul3A_203 : i32
        %add3A_205 = arith.addi %mul3A_2, %mul3A_204 : i32
        %dma_start3A_206 = arith.constant 0 : i32
        %dma_start3A_207 = tpu.memref_slice %arg2[%add3A_205, %dma_start3A_206] : memref<16384x1024xf32, #tpu.memory_space<hbm>> -> memref<8x1024xf32, #tpu.memory_space<hbm>>
        %dma_start3A_208 = arith.constant 0 : i32
        %dma_start3A_209 = tpu.memref_slice %arg2[%add3A_205, %dma_start3A_208] : memref<16384x1024xf32, #tpu.memory_space<hbm>> -> memref<8x1024xf32, #tpu.memory_space<hbm>>
        tpu.enqueue_dma source(%dma_start3A_209 : memref<8x1024xf32, #tpu.memory_space<hbm>>) target(%arg14 : memref<8x1024xf32, #tpu.memory_space<vmem>>) target_semaphore(%arg18 : memref<!tpu.dma_semaphore, #tpu.memory_space<semaphore_mem>>)
        %mul3A_210 = arith.constant 8 : i32
        %mul3A_211 = arith.muli %add3A_202, %mul3A_210 : i32
        %dma_start3A_212 = tpu.memref_slice %arg6[%mul3A_211] : memref<512xi32, #tpu.memory_space<vmem>> -> memref<8xi32, #tpu.memory_space<vmem>>
        %dma_start3A_213 = arith.constant 0 : i32
        %dma_start3A_214 = arith.constant 0 : i32
        %dma_start3A_215 = tpu.memref_slice %arg4[%dma_start3A_213, %dma_start3A_214] : memref<8192x1024xf32, #tpu.memory_space<hbm>> -> memref<8192x1024xf32, #tpu.memory_space<hbm>>
        tpu.enqueue_indirect_dma source(%dma_start3A_215 : memref<8192x1024xf32, #tpu.memory_space<hbm>>) target(%arg10 : memref<8x1024xf32, #tpu.memory_space<vmem>>) offsets(%dma_start3A_212 : memref<8xi32, #tpu.memory_space<vmem>>) semaphore(%arg18 : memref<!tpu.dma_semaphore, #tpu.memory_space<semaphore_mem>>)
      } else {
      }
      %dma_wait3A_113 = arith.constant 0 : i32
      %dma_wait3A_114 = tpu.memref_slice %arg2[%mul3A_2, %dma_wait3A_113] : memref<16384x1024xf32, #tpu.memory_space<hbm>> -> memref<8x1024xf32, #tpu.memory_space<hbm>>
      %dma_wait3A_115 = arith.constant 0 : i32
      %dma_wait3A_116 = tpu.memref_slice %arg2[%mul3A_2, %dma_wait3A_115] : memref<16384x1024xf32, #tpu.memory_space<hbm>> -> memref<8x1024xf32, #tpu.memory_space<hbm>>
      tpu.wait_dma2 semaphore(%arg16 : memref<!tpu.dma_semaphore, #tpu.memory_space<semaphore_mem>>) src(%dma_wait3A_116 : memref<8x1024xf32, #tpu.memory_space<hbm>>) dst(%arg8 : memref<8x1024xf32, #tpu.memory_space<vmem>>)
      %dma_wait3A_117 = arith.constant 0 : i32
      %dma_wait3A_118 = tpu.memref_slice %arg2[%mul3A_2, %dma_wait3A_117] : memref<16384x1024xf32, #tpu.memory_space<hbm>> -> memref<8x1024xf32, #tpu.memory_space<hbm>>
      %dma_wait3A_119 = arith.constant 0 : i32
      %dma_wait3A_120 = tpu.memref_slice %arg2[%mul3A_2, %dma_wait3A_119] : memref<16384x1024xf32, #tpu.memory_space<hbm>> -> memref<8x1024xf32, #tpu.memory_space<hbm>>
      tpu.wait_dma2 semaphore(%arg16 : memref<!tpu.dma_semaphore, #tpu.memory_space<semaphore_mem>>) src(%dma_wait3A_120 : memref<8x1024xf32, #tpu.memory_space<hbm>>) dst(%arg12 : memref<8x1024xf32, #tpu.memory_space<vmem>>)
      %scan3A_121 = arith.constant 0 : i32
      %scan3A_122 = arith.constant 8 : i32
      %scan3A_123 = arith.addi %scan3A_121, %scan3A_122 : i32
      %scan3A_124 = arith.constant 1 : i32
      scf.for %scan3A_197 = %scan3A_121 to %scan3A_123 step %scan3A_124  : i32 {
        %mul3A_198 = arith.constant 1 : i32
        %mul3A_199 = arith.muli %scan3A_197, %mul3A_198 : i32
        %add3A_200 = arith.constant 0 : i32
        %add3A_201 = arith.addi %add3A_200, %mul3A_199 : i32
        %scan3A_202 = arith.constant 0 : i32
        %scan3A_203 = arith.constant 64 : i32
        %scan3A_204 = arith.addi %scan3A_202, %scan3A_203 : i32
        %scan3A_205 = arith.constant 16 : i32
        scf.for %scan3A_207 = %scan3A_202 to %scan3A_204 step %scan3A_205  : i32 {
          %mul3A_208 = arith.constant 1 : i32
          %mul3A_209 = arith.muli %scan3A_207, %mul3A_208 : i32
          %add3A_210 = arith.constant 0 : i32
          %add3A_211 = arith.addi %add3A_210, %mul3A_209 : i32
          %mul3A_212 = arith.constant 16 : i32
          %mul3A_213 = arith.muli %add3A_211, %mul3A_212 : i32
          %get3A = arith.index_cast %add3A_201 : i32 to index
          %get3A_214 = arith.index_cast %mul3A_213 : i32 to index
          %get3A_215 = tpu.vector_load %arg8[%get3A, %get3A_214] {strides = array<i32>} : memref<8x1024xf32, #tpu.memory_space<vmem>>, vector<1x16xf32>,
          %get3A_216 = vector.shape_cast %get3A_215 : vector<1x16xf32> to vector<16xf32>
          %swap3A = arith.index_cast %add3A_201 : i32 to index
          %swap3A_217 = arith.index_cast %mul3A_213 : i32 to index
          %swap3A_218 = tpu.vector_load %arg12[%swap3A, %swap3A_217] {strides = array<i32>} : memref<8x1024xf32, #tpu.memory_space<vmem>>, vector<1x16xf32>,
          %swap3A_219 = vector.shape_cast %swap3A_218 : vector<1x16xf32> to vector<16xf32>
          %swap3A_220 = vector.shape_cast %get3A_216 : vector<16xf32> to vector<1x16xf32>
          tpu.vector_store %arg12[%swap3A, %swap3A_217], %swap3A_220 {add = true, strides = array<i32>} : memref<8x1024xf32, #tpu.memory_space<vmem>>, vector<1x16xf32>,
          %scan3A_221 = arith.constant 1 : i32
          %scan3A_222 = arith.addi %scan3A_207, %scan3A_221 : i32
          %mul3A_223 = arith.constant 1 : i32
          %mul3A_224 = arith.muli %scan3A_222, %mul3A_223 : i32
          %add3A_225 = arith.constant 0 : i32
          %add3A_226 = arith.addi %add3A_225, %mul3A_224 : i32
          %mul3A_227 = arith.constant 16 : i32
          %mul3A_228 = arith.muli %add3A_226, %mul3A_227 : i32
          %get3A_229 = arith.index_cast %add3A_201 : i32 to index
          %get3A_230 = arith.index_cast %mul3A_228 : i32 to index
          %get3A_231 = tpu.vector_load %arg8[%get3A_229, %get3A_230] {strides = array<i32>} : memref<8x1024xf32, #tpu.memory_space<vmem>>, vector<1x16xf32>,
          %get3A_232 = vector.shape_cast %get3A_231 : vector<1x16xf32> to vector<16xf32>
          %swap3A_233 = arith.index_cast %add3A_201 : i32 to index
          %swap3A_234 = arith.index_cast %mul3A_228 : i32 to index
          %swap3A_235 = tpu.vector_load %arg12[%swap3A_233, %swap3A_234] {strides = array<i32>} : memref<8x1024xf32, #tpu.memory_space<vmem>>, vector<1x16xf32>,
          %swap3A_236 = vector.shape_cast %swap3A_235 : vector<1x16xf32> to vector<16xf32>
          %swap3A_237 = vector.shape_cast %get3A_232 : vector<16xf32> to vector<1x16xf32>
          tpu.vector_store %arg12[%swap3A_233, %swap3A_234], %swap3A_237 {add = true, strides = array<i32>} : memref<8x1024xf32, #tpu.memory_space<vmem>>, vector<1x16xf32>,
          %scan3A_238 = arith.constant 2 : i32
          %scan3A_239 = arith.addi %scan3A_207, %scan3A_238 : i32
          %mul3A_240 = arith.constant 1 : i32
          %mul3A_241 = arith.muli %scan3A_239, %mul3A_240 : i32
          %add3A_242 = arith.constant 0 : i32
          %add3A_243 = arith.addi %add3A_242, %mul3A_241 : i32
          %mul3A_244 = arith.constant 16 : i32
          %mul3A_245 = arith.muli %add3A_243, %mul3A_244 : i32
          %get3A_246 = arith.index_cast %add3A_201 : i32 to index
          %get3A_247 = arith.index_cast %mul3A_245 : i32 to index
          %get3A_248 = tpu.vector_load %arg8[%get3A_246, %get3A_247] {strides = array<i32>} : memref<8x1024xf32, #tpu.memory_space<vmem>>, vector<1x16xf32>,
          %get3A_249 = vector.shape_cast %get3A_248 : vector<1x16xf32> to vector<16xf32>
          %swap3A_250 = arith.index_cast %add3A_201 : i32 to index
          %swap3A_251 = arith.index_cast %mul3A_245 : i32 to index
          %swap3A_252 = tpu.vector_load %arg12[%swap3A_250, %swap3A_251] {strides = array<i32>} : memref<8x1024xf32, #tpu.memory_space<vmem>>, vector<1x16xf32>,
          %swap3A_253 = vector.shape_cast %swap3A_252 : vector<1x16xf32> to vector<16xf32>
          %swap3A_254 = vector.shape_cast %get3A_249 : vector<16xf32> to vector<1x16xf32>
          tpu.vector_store %arg12[%swap3A_250, %swap3A_251], %swap3A_254 {add = true, strides = array<i32>} : memref<8x1024xf32, #tpu.memory_space<vmem>>, vector<1x16xf32>,
          %scan3A_255 = arith.constant 3 : i32
          %scan3A_256 = arith.addi %scan3A_207, %scan3A_255 : i32
          %mul3A_257 = arith.constant 1 : i32
          %mul3A_258 = arith.muli %scan3A_256, %mul3A_257 : i32
          %add3A_259 = arith.constant 0 : i32
          %add3A_260 = arith.addi %add3A_259, %mul3A_258 : i32
          %mul3A_261 = arith.constant 16 : i32
          %mul3A_262 = arith.muli %add3A_260, %mul3A_261 : i32
          %get3A_263 = arith.index_cast %add3A_201 : i32 to index
          %get3A_264 = arith.index_cast %mul3A_262 : i32 to index
          %get3A_265 = tpu.vector_load %arg8[%get3A_263, %get3A_264] {strides = array<i32>} : memref<8x1024xf32, #tpu.memory_space<vmem>>, vector<1x16xf32>,
          %get3A_266 = vector.shape_cast %get3A_265 : vector<1x16xf32> to vector<16xf32>
          %swap3A_267 = arith.index_cast %add3A_201 : i32 to index
          %swap3A_268 = arith.index_cast %mul3A_262 : i32 to index
          %swap3A_269 = tpu.vector_load %arg12[%swap3A_267, %swap3A_268] {strides = array<i32>} : memref<8x1024xf32, #tpu.memory_space<vmem>>, vector<1x16xf32>,
          %swap3A_270 = vector.shape_cast %swap3A_269 : vector<1x16xf32> to vector<16xf32>
          %swap3A_271 = vector.shape_cast %get3A_266 : vector<16xf32> to vector<1x16xf32>
          tpu.vector_store %arg12[%swap3A_267, %swap3A_268], %swap3A_271 {add = true, strides = array<i32>} : memref<8x1024xf32, #tpu.memory_space<vmem>>, vector<1x16xf32>,
          %scan3A_272 = arith.constant 4 : i32
          %scan3A_273 = arith.addi %scan3A_207, %scan3A_272 : i32
          %mul3A_274 = arith.constant 1 : i32
          %mul3A_275 = arith.muli %scan3A_273, %mul3A_274 : i32
          %add3A_276 = arith.constant 0 : i32
          %add3A_277 = arith.addi %add3A_276, %mul3A_275 : i32
          %mul3A_278 = arith.constant 16 : i32
          %mul3A_279 = arith.muli %add3A_277, %mul3A_278 : i32
          %get3A_280 = arith.index_cast %add3A_201 : i32 to index
          %get3A_281 = arith.index_cast %mul3A_279 : i32 to index
          %get3A_282 = tpu.vector_load %arg8[%get3A_280, %get3A_281] {strides = array<i32>} : memref<8x1024xf32, #tpu.memory_space<vmem>>, vector<1x16xf32>,
          %get3A_283 = vector.shape_cast %get3A_282 : vector<1x16xf32> to vector<16xf32>
          %swap3A_284 = arith.index_cast %add3A_201 : i32 to index
          %swap3A_285 = arith.index_cast %mul3A_279 : i32 to index
          %swap3A_286 = tpu.vector_load %arg12[%swap3A_284, %swap3A_285] {strides = array<i32>} : memref<8x1024xf32, #tpu.memory_space<vmem>>, vector<1x16xf32>,
          %swap3A_287 = vector.shape_cast %swap3A_286 : vector<1x16xf32> to vector<16xf32>
          %swap3A_288 = vector.shape_cast %get3A_283 : vector<16xf32> to vector<1x16xf32>
          tpu.vector_store %arg12[%swap3A_284, %swap3A_285], %swap3A_288 {add = true, strides = array<i32>} : memref<8x1024xf32, #tpu.memory_space<vmem>>, vector<1x16xf32>,
          %scan3A_289 = arith.constant 5 : i32
          %scan3A_290 = arith.addi %scan3A_207, %scan3A_289 : i32
          %mul3A_291 = arith.constant 1 : i32
          %mul3A_292 = arith.muli %scan3A_290, %mul3A_291 : i32
          %add3A_293 = arith.constant 0 : i32
          %add3A_294 = arith.addi %add3A_293, %mul3A_292 : i32
          %mul3A_295 = arith.constant 16 : i32
          %mul3A_296 = arith.muli %add3A_294, %mul3A_295 : i32
          %get3A_297 = arith.index_cast %add3A_201 : i32 to index
          %get3A_298 = arith.index_cast %mul3A_296 : i32 to index
          %get3A_299 = tpu.vector_load %arg8[%get3A_297, %get3A_298] {strides = array<i32>} : memref<8x1024xf32, #tpu.memory_space<vmem>>, vector<1x16xf32>,
          %get3A_300 = vector.shape_cast %get3A_299 : vector<1x16xf32> to vector<16xf32>
          %swap3A_301 = arith.index_cast %add3A_201 : i32 to index
          %swap3A_302 = arith.index_cast %mul3A_296 : i32 to index
          %swap3A_303 = tpu.vector_load %arg12[%swap3A_301, %swap3A_302] {strides = array<i32>} : memref<8x1024xf32, #tpu.memory_space<vmem>>, vector<1x16xf32>,
          %swap3A_304 = vector.shape_cast %swap3A_303 : vector<1x16xf32> to vector<16xf32>
          %swap3A_305 = vector.shape_cast %get3A_300 : vector<16xf32> to vector<1x16xf32>
          tpu.vector_store %arg12[%swap3A_301, %swap3A_302], %swap3A_305 {add = true, strides = array<i32>} : memref<8x1024xf32, #tpu.memory_space<vmem>>, vector<1x16xf32>,
          %scan3A_306 = arith.constant 6 : i32
          %scan3A_307 = arith.addi %scan3A_207, %scan3A_306 : i32
          %mul3A_308 = arith.constant 1 : i32
          %mul3A_309 = arith.muli %scan3A_307, %mul3A_308 : i32
          %add3A_310 = arith.constant 0 : i32
          %add3A_311 = arith.addi %add3A_310, %mul3A_309 : i32
          %mul3A_312 = arith.constant 16 : i32
          %mul3A_313 = arith.muli %add3A_311, %mul3A_312 : i32
          %get3A_314 = arith.index_cast %add3A_201 : i32 to index
          %get3A_315 = arith.index_cast %mul3A_313 : i32 to index
          %get3A_316 = tpu.vector_load %arg8[%get3A_314, %get3A_315] {strides = array<i32>} : memref<8x1024xf32, #tpu.memory_space<vmem>>, vector<1x16xf32>,
          %get3A_317 = vector.shape_cast %get3A_316 : vector<1x16xf32> to vector<16xf32>
          %swap3A_318 = arith.index_cast %add3A_201 : i32 to index
          %swap3A_319 = arith.index_cast %mul3A_313 : i32 to index
          %swap3A_320 = tpu.vector_load %arg12[%swap3A_318, %swap3A_319] {strides = array<i32>} : memref<8x1024xf32, #tpu.memory_space<vmem>>, vector<1x16xf32>,
          %swap3A_321 = vector.shape_cast %swap3A_320 : vector<1x16xf32> to vector<16xf32>
          %swap3A_322 = vector.shape_cast %get3A_317 : vector<16xf32> to vector<1x16xf32>
          tpu.vector_store %arg12[%swap3A_318, %swap3A_319], %swap3A_322 {add = true, strides = array<i32>} : memref<8x1024xf32, #tpu.memory_space<vmem>>, vector<1x16xf32>,
          %scan3A_323 = arith.constant 7 : i32
          %scan3A_324 = arith.addi %scan3A_207, %scan3A_323 : i32
          %mul3A_325 = arith.constant 1 : i32
          %mul3A_326 = arith.muli %scan3A_324, %mul3A_325 : i32
          %add3A_327 = arith.constant 0 : i32
          %add3A_328 = arith.addi %add3A_327, %mul3A_326 : i32
          %mul3A_329 = arith.constant 16 : i32
          %mul3A_330 = arith.muli %add3A_328, %mul3A_329 : i32
          %get3A_331 = arith.index_cast %add3A_201 : i32 to index
          %get3A_332 = arith.index_cast %mul3A_330 : i32 to index
          %get3A_333 = tpu.vector_load %arg8[%get3A_331, %get3A_332] {strides = array<i32>} : memref<8x1024xf32, #tpu.memory_space<vmem>>, vector<1x16xf32>,
          %get3A_334 = vector.shape_cast %get3A_333 : vector<1x16xf32> to vector<16xf32>
          %swap3A_335 = arith.index_cast %add3A_201 : i32 to index
          %swap3A_336 = arith.index_cast %mul3A_330 : i32 to index
          %swap3A_337 = tpu.vector_load %arg12[%swap3A_335, %swap3A_336] {strides = array<i32>} : memref<8x1024xf32, #tpu.memory_space<vmem>>, vector<1x16xf32>,
          %swap3A_338 = vector.shape_cast %swap3A_337 : vector<1x16xf32> to vector<16xf32>
          %swap3A_339 = vector.shape_cast %get3A_334 : vector<16xf32> to vector<1x16xf32>
          tpu.vector_store %arg12[%swap3A_335, %swap3A_336], %swap3A_339 {add = true, strides = array<i32>} : memref<8x1024xf32, #tpu.memory_space<vmem>>, vector<1x16xf32>,
          %scan3A_340 = arith.constant 8 : i32
          %scan3A_341 = arith.addi %scan3A_207, %scan3A_340 : i32
          %mul3A_342 = arith.constant 1 : i32
          %mul3A_343 = arith.muli %scan3A_341, %mul3A_342 : i32
          %add3A_344 = arith.constant 0 : i32
          %add3A_345 = arith.addi %add3A_344, %mul3A_343 : i32
          %mul3A_346 = arith.constant 16 : i32
          %mul3A_347 = arith.muli %add3A_345, %mul3A_346 : i32
          %get3A_348 = arith.index_cast %add3A_201 : i32 to index
          %get3A_349 = arith.index_cast %mul3A_347 : i32 to index
          %get3A_350 = tpu.vector_load %arg8[%get3A_348, %get3A_349] {strides = array<i32>} : memref<8x1024xf32, #tpu.memory_space<vmem>>, vector<1x16xf32>,
          %get3A_351 = vector.shape_cast %get3A_350 : vector<1x16xf32> to vector<16xf32>
          %swap3A_352 = arith.index_cast %add3A_201 : i32 to index
          %swap3A_353 = arith.index_cast %mul3A_347 : i32 to index
          %swap3A_354 = tpu.vector_load %arg12[%swap3A_352, %swap3A_353] {strides = array<i32>} : memref<8x1024xf32, #tpu.memory_space<vmem>>, vector<1x16xf32>,
          %swap3A_355 = vector.shape_cast %swap3A_354 : vector<1x16xf32> to vector<16xf32>
          %swap3A_356 = vector.shape_cast %get3A_351 : vector<16xf32> to vector<1x16xf32>
          tpu.vector_store %arg12[%swap3A_352, %swap3A_353], %swap3A_356 {add = true, strides = array<i32>} : memref<8x1024xf32, #tpu.memory_space<vmem>>, vector<1x16xf32>,
          %scan3A_357 = arith.constant 9 : i32
          %scan3A_358 = arith.addi %scan3A_207, %scan3A_357 : i32
          %mul3A_359 = arith.constant 1 : i32
          %mul3A_360 = arith.muli %scan3A_358, %mul3A_359 : i32
          %add3A_361 = arith.constant 0 : i32
          %add3A_362 = arith.addi %add3A_361, %mul3A_360 : i32
          %mul3A_363 = arith.constant 16 : i32
          %mul3A_364 = arith.muli %add3A_362, %mul3A_363 : i32
          %get3A_365 = arith.index_cast %add3A_201 : i32 to index
          %get3A_366 = arith.index_cast %mul3A_364 : i32 to index
          %get3A_367 = tpu.vector_load %arg8[%get3A_365, %get3A_366] {strides = array<i32>} : memref<8x1024xf32, #tpu.memory_space<vmem>>, vector<1x16xf32>,
          %get3A_368 = vector.shape_cast %get3A_367 : vector<1x16xf32> to vector<16xf32>
          %swap3A_369 = arith.index_cast %add3A_201 : i32 to index
          %swap3A_370 = arith.index_cast %mul3A_364 : i32 to index
          %swap3A_371 = tpu.vector_load %arg12[%swap3A_369, %swap3A_370] {strides = array<i32>} : memref<8x1024xf32, #tpu.memory_space<vmem>>, vector<1x16xf32>,
          %swap3A_372 = vector.shape_cast %swap3A_371 : vector<1x16xf32> to vector<16xf32>
          %swap3A_373 = vector.shape_cast %get3A_368 : vector<16xf32> to vector<1x16xf32>
          tpu.vector_store %arg12[%swap3A_369, %swap3A_370], %swap3A_373 {add = true, strides = array<i32>} : memref<8x1024xf32, #tpu.memory_space<vmem>>, vector<1x16xf32>,
          %scan3A_374 = arith.constant 10 : i32
          %scan3A_375 = arith.addi %scan3A_207, %scan3A_374 : i32
          %mul3A_376 = arith.constant 1 : i32
          %mul3A_377 = arith.muli %scan3A_375, %mul3A_376 : i32
          %add3A_378 = arith.constant 0 : i32
          %add3A_379 = arith.addi %add3A_378, %mul3A_377 : i32
          %mul3A_380 = arith.constant 16 : i32
          %mul3A_381 = arith.muli %add3A_379, %mul3A_380 : i32
          %get3A_382 = arith.index_cast %add3A_201 : i32 to index
          %get3A_383 = arith.index_cast %mul3A_381 : i32 to index
          %get3A_384 = tpu.vector_load %arg8[%get3A_382, %get3A_383] {strides = array<i32>} : memref<8x1024xf32, #tpu.memory_space<vmem>>, vector<1x16xf32>,
          %get3A_385 = vector.shape_cast %get3A_384 : vector<1x16xf32> to vector<16xf32>
          %swap3A_386 = arith.index_cast %add3A_201 : i32 to index
          %swap3A_387 = arith.index_cast %mul3A_381 : i32 to index
          %swap3A_388 = tpu.vector_load %arg12[%swap3A_386, %swap3A_387] {strides = array<i32>} : memref<8x1024xf32, #tpu.memory_space<vmem>>, vector<1x16xf32>,
          %swap3A_389 = vector.shape_cast %swap3A_388 : vector<1x16xf32> to vector<16xf32>
          %swap3A_390 = vector.shape_cast %get3A_385 : vector<16xf32> to vector<1x16xf32>
          tpu.vector_store %arg12[%swap3A_386, %swap3A_387], %swap3A_390 {add = true, strides = array<i32>} : memref<8x1024xf32, #tpu.memory_space<vmem>>, vector<1x16xf32>,
          %scan3A_391 = arith.constant 11 : i32
          %scan3A_392 = arith.addi %scan3A_207, %scan3A_391 : i32
          %mul3A_393 = arith.constant 1 : i32
          %mul3A_394 = arith.muli %scan3A_392, %mul3A_393 : i32
          %add3A_395 = arith.constant 0 : i32
          %add3A_396 = arith.addi %add3A_395, %mul3A_394 : i32
          %mul3A_397 = arith.constant 16 : i32
          %mul3A_398 = arith.muli %add3A_396, %mul3A_397 : i32
          %get3A_399 = arith.index_cast %add3A_201 : i32 to index
          %get3A_400 = arith.index_cast %mul3A_398 : i32 to index
          %get3A_401 = tpu.vector_load %arg8[%get3A_399, %get3A_400] {strides = array<i32>} : memref<8x1024xf32, #tpu.memory_space<vmem>>, vector<1x16xf32>,
          %get3A_402 = vector.shape_cast %get3A_401 : vector<1x16xf32> to vector<16xf32>
          %swap3A_403 = arith.index_cast %add3A_201 : i32 to index
          %swap3A_404 = arith.index_cast %mul3A_398 : i32 to index
          %swap3A_405 = tpu.vector_load %arg12[%swap3A_403, %swap3A_404] {strides = array<i32>} : memref<8x1024xf32, #tpu.memory_space<vmem>>, vector<1x16xf32>,
          %swap3A_406 = vector.shape_cast %swap3A_405 : vector<1x16xf32> to vector<16xf32>
          %swap3A_407 = vector.shape_cast %get3A_402 : vector<16xf32> to vector<1x16xf32>
          tpu.vector_store %arg12[%swap3A_403, %swap3A_404], %swap3A_407 {add = true, strides = array<i32>} : memref<8x1024xf32, #tpu.memory_space<vmem>>, vector<1x16xf32>,
          %scan3A_408 = arith.constant 12 : i32
          %scan3A_409 = arith.addi %scan3A_207, %scan3A_408 : i32
          %mul3A_410 = arith.constant 1 : i32
          %mul3A_411 = arith.muli %scan3A_409, %mul3A_410 : i32
          %add3A_412 = arith.constant 0 : i32
          %add3A_413 = arith.addi %add3A_412, %mul3A_411 : i32
          %mul3A_414 = arith.constant 16 : i32
          %mul3A_415 = arith.muli %add3A_413, %mul3A_414 : i32
          %get3A_416 = arith.index_cast %add3A_201 : i32 to index
          %get3A_417 = arith.index_cast %mul3A_415 : i32 to index
          %get3A_418 = tpu.vector_load %arg8[%get3A_416, %get3A_417] {strides = array<i32>} : memref<8x1024xf32, #tpu.memory_space<vmem>>, vector<1x16xf32>,
          %get3A_419 = vector.shape_cast %get3A_418 : vector<1x16xf32> to vector<16xf32>
          %swap3A_420 = arith.index_cast %add3A_201 : i32 to index
          %swap3A_421 = arith.index_cast %mul3A_415 : i32 to index
          %swap3A_422 = tpu.vector_load %arg12[%swap3A_420, %swap3A_421] {strides = array<i32>} : memref<8x1024xf32, #tpu.memory_space<vmem>>, vector<1x16xf32>,
          %swap3A_423 = vector.shape_cast %swap3A_422 : vector<1x16xf32> to vector<16xf32>
          %swap3A_424 = vector.shape_cast %get3A_419 : vector<16xf32> to vector<1x16xf32>
          tpu.vector_store %arg12[%swap3A_420, %swap3A_421], %swap3A_424 {add = true, strides = array<i32>} : memref<8x1024xf32, #tpu.memory_space<vmem>>, vector<1x16xf32>,
          %scan3A_425 = arith.constant 13 : i32
          %scan3A_426 = arith.addi %scan3A_207, %scan3A_425 : i32
          %mul3A_427 = arith.constant 1 : i32
          %mul3A_428 = arith.muli %scan3A_426, %mul3A_427 : i32
          %add3A_429 = arith.constant 0 : i32
          %add3A_430 = arith.addi %add3A_429, %mul3A_428 : i32
          %mul3A_431 = arith.constant 16 : i32
          %mul3A_432 = arith.muli %add3A_430, %mul3A_431 : i32
          %get3A_433 = arith.index_cast %add3A_201 : i32 to index
          %get3A_434 = arith.index_cast %mul3A_432 : i32 to index
          %get3A_435 = tpu.vector_load %arg8[%get3A_433, %get3A_434] {strides = array<i32>} : memref<8x1024xf32, #tpu.memory_space<vmem>>, vector<1x16xf32>,
          %get3A_436 = vector.shape_cast %get3A_435 : vector<1x16xf32> to vector<16xf32>
          %swap3A_437 = arith.index_cast %add3A_201 : i32 to index
          %swap3A_438 = arith.index_cast %mul3A_432 : i32 to index
          %swap3A_439 = tpu.vector_load %arg12[%swap3A_437, %swap3A_438] {strides = array<i32>} : memref<8x1024xf32, #tpu.memory_space<vmem>>, vector<1x16xf32>,
          %swap3A_440 = vector.shape_cast %swap3A_439 : vector<1x16xf32> to vector<16xf32>
          %swap3A_441 = vector.shape_cast %get3A_436 : vector<16xf32> to vector<1x16xf32>
          tpu.vector_store %arg12[%swap3A_437, %swap3A_438], %swap3A_441 {add = true, strides = array<i32>} : memref<8x1024xf32, #tpu.memory_space<vmem>>, vector<1x16xf32>,
          %scan3A_442 = arith.constant 14 : i32
          %scan3A_443 = arith.addi %scan3A_207, %scan3A_442 : i32
          %mul3A_444 = arith.constant 1 : i32
          %mul3A_445 = arith.muli %scan3A_443, %mul3A_444 : i32
          %add3A_446 = arith.constant 0 : i32
          %add3A_447 = arith.addi %add3A_446, %mul3A_445 : i32
          %mul3A_448 = arith.constant 16 : i32
          %mul3A_449 = arith.muli %add3A_447, %mul3A_448 : i32
          %get3A_450 = arith.index_cast %add3A_201 : i32 to index
          %get3A_451 = arith.index_cast %mul3A_449 : i32 to index
          %get3A_452 = tpu.vector_load %arg8[%get3A_450, %get3A_451] {strides = array<i32>} : memref<8x1024xf32, #tpu.memory_space<vmem>>, vector<1x16xf32>,
          %get3A_453 = vector.shape_cast %get3A_452 : vector<1x16xf32> to vector<16xf32>
          %swap3A_454 = arith.index_cast %add3A_201 : i32 to index
          %swap3A_455 = arith.index_cast %mul3A_449 : i32 to index
          %swap3A_456 = tpu.vector_load %arg12[%swap3A_454, %swap3A_455] {strides = array<i32>} : memref<8x1024xf32, #tpu.memory_space<vmem>>, vector<1x16xf32>,
          %swap3A_457 = vector.shape_cast %swap3A_456 : vector<1x16xf32> to vector<16xf32>
          %swap3A_458 = vector.shape_cast %get3A_453 : vector<16xf32> to vector<1x16xf32>
          tpu.vector_store %arg12[%swap3A_454, %swap3A_455], %swap3A_458 {add = true, strides = array<i32>} : memref<8x1024xf32, #tpu.memory_space<vmem>>, vector<1x16xf32>,
          %scan3A_459 = arith.constant 15 : i32
          %scan3A_460 = arith.addi %scan3A_207, %scan3A_459 : i32
          %mul3A_461 = arith.constant 1 : i32
          %mul3A_462 = arith.muli %scan3A_460, %mul3A_461 : i32
          %add3A_463 = arith.constant 0 : i32
          %add3A_464 = arith.addi %add3A_463, %mul3A_462 : i32
          %mul3A_465 = arith.constant 16 : i32
          %mul3A_466 = arith.muli %add3A_464, %mul3A_465 : i32
          %get3A_467 = arith.index_cast %add3A_201 : i32 to index
          %get3A_468 = arith.index_cast %mul3A_466 : i32 to index
          %get3A_469 = tpu.vector_load %arg8[%get3A_467, %get3A_468] {strides = array<i32>} : memref<8x1024xf32, #tpu.memory_space<vmem>>, vector<1x16xf32>,
          %get3A_470 = vector.shape_cast %get3A_469 : vector<1x16xf32> to vector<16xf32>
          %swap3A_471 = arith.index_cast %add3A_201 : i32 to index
          %swap3A_472 = arith.index_cast %mul3A_466 : i32 to index
          %swap3A_473 = tpu.vector_load %arg12[%swap3A_471, %swap3A_472] {strides = array<i32>} : memref<8x1024xf32, #tpu.memory_space<vmem>>, vector<1x16xf32>,
          %swap3A_474 = vector.shape_cast %swap3A_473 : vector<1x16xf32> to vector<16xf32>
          %swap3A_475 = vector.shape_cast %get3A_470 : vector<16xf32> to vector<1x16xf32>
          tpu.vector_store %arg12[%swap3A_471, %swap3A_472], %swap3A_475 {add = true, strides = array<i32>} : memref<8x1024xf32, #tpu.memory_space<vmem>>, vector<1x16xf32>,
        }
        %scan3A_206 = arith.constant 64 : i32
      }
      %scan3A_125 = arith.constant 8 : i32
      %mul3A_126 = arith.constant 8 : i32
      %mul3A_127 = arith.muli %add3A_102, %mul3A_126 : i32
      %add3A_128 = arith.addi %mul3A_2, %mul3A_127 : i32
      %dma_start3A_129 = arith.constant 0 : i32
      %dma_start3A_130 = tpu.memref_slice %arg5[%add3A_128, %dma_start3A_129] : memref<16384x1024xf32, #tpu.memory_space<hbm>> -> memref<8x1024xf32, #tpu.memory_space<hbm>>
      %dma_start3A_131 = arith.constant 0 : i32
      %dma_start3A_132 = tpu.memref_slice %arg5[%add3A_128, %dma_start3A_131] : memref<16384x1024xf32, #tpu.memory_space<hbm>> -> memref<8x1024xf32, #tpu.memory_space<hbm>>
      tpu.enqueue_dma source(%arg12 : memref<8x1024xf32, #tpu.memory_space<vmem>>) target(%dma_start3A_132 : memref<8x1024xf32, #tpu.memory_space<hbm>>) target_semaphore(%arg20 : memref<!tpu.dma_semaphore, #tpu.memory_space<semaphore_mem>>)
      %add3A_133 = arith.constant 2 : i32
      %add3A_134 = arith.addi %add3A_73, %add3A_133 : i32
      %ge3A_135 = arith.constant 2 : i32
      %ge3A_136 = arith.cmpi sge, %add3A_134, %ge3A_135 : i32
      %add3A_137 = arith.constant 2 : i32
      %add3A_138 = arith.addi %add3A_134, %add3A_137 : i32
      %lt3A_139 = arith.constant 64 : i32
      %lt3A_140 = arith.cmpi slt, %add3A_138, %lt3A_139 : i32
      %and3A_141 = arith.andi %ge3A_136, %lt3A_140 : i1
      %convert_element_type3A_142 = arith.extui %and3A_141 : i1 to i32
      %cond3A_143 = arith.constant 0 : i32
      %cond3A_144 = arith.cmpi ne, %convert_element_type3A_142, %cond3A_143 : i32
      scf.if %cond3A_144 {
        %dma_wait3A_197 = arith.constant 0 : i32
        %dma_wait3A_198 = tpu.memref_slice %arg2[%mul3A_2, %dma_wait3A_197] : memref<16384x1024xf32, #tpu.memory_space<hbm>> -> memref<8x1024xf32, #tpu.memory_space<hbm>>
        %dma_wait3A_199 = arith.constant 0 : i32
        %dma_wait3A_200 = tpu.memref_slice %arg2[%mul3A_2, %dma_wait3A_199] : memref<16384x1024xf32, #tpu.memory_space<hbm>> -> memref<8x1024xf32, #tpu.memory_space<hbm>>
        tpu.wait_dma2 semaphore(%arg19 : memref<!tpu.dma_semaphore, #tpu.memory_space<semaphore_mem>>) src(%dma_wait3A_200 : memref<8x1024xf32, #tpu.memory_space<hbm>>) dst(%arg11 : memref<8x1024xf32, #tpu.memory_space<vmem>>)
        %add3A_201 = arith.constant 2 : i32
        %add3A_202 = arith.addi %add3A_134, %add3A_201 : i32
        %mul3A_203 = arith.constant 8 : i32
        %mul3A_204 = arith.muli %add3A_202, %mul3A_203 : i32
        %add3A_205 = arith.addi %mul3A_2, %mul3A_204 : i32
        %dma_start3A_206 = arith.constant 0 : i32
        %dma_start3A_207 = tpu.memref_slice %arg2[%add3A_205, %dma_start3A_206] : memref<16384x1024xf32, #tpu.memory_space<hbm>> -> memref<8x1024xf32, #tpu.memory_space<hbm>>
        %dma_start3A_208 = arith.constant 0 : i32
        %dma_start3A_209 = tpu.memref_slice %arg2[%add3A_205, %dma_start3A_208] : memref<16384x1024xf32, #tpu.memory_space<hbm>> -> memref<8x1024xf32, #tpu.memory_space<hbm>>
        tpu.enqueue_dma source(%dma_start3A_209 : memref<8x1024xf32, #tpu.memory_space<hbm>>) target(%arg11 : memref<8x1024xf32, #tpu.memory_space<vmem>>) target_semaphore(%arg15 : memref<!tpu.dma_semaphore, #tpu.memory_space<semaphore_mem>>)
        %mul3A_210 = arith.constant 8 : i32
        %mul3A_211 = arith.muli %add3A_202, %mul3A_210 : i32
        %dma_start3A_212 = tpu.memref_slice %arg6[%mul3A_211] : memref<512xi32, #tpu.memory_space<vmem>> -> memref<8xi32, #tpu.memory_space<vmem>>
        %dma_start3A_213 = arith.constant 0 : i32
        %dma_start3A_214 = arith.constant 0 : i32
        %dma_start3A_215 = tpu.memref_slice %arg4[%dma_start3A_213, %dma_start3A_214] : memref<8192x1024xf32, #tpu.memory_space<hbm>> -> memref<8192x1024xf32, #tpu.memory_space<hbm>>
        tpu.enqueue_indirect_dma source(%dma_start3A_215 : memref<8192x1024xf32, #tpu.memory_space<hbm>>) target(%arg7 : memref<8x1024xf32, #tpu.memory_space<vmem>>) offsets(%dma_start3A_212 : memref<8xi32, #tpu.memory_space<vmem>>) semaphore(%arg15 : memref<!tpu.dma_semaphore, #tpu.memory_space<semaphore_mem>>)
      } else {
      }
      %dma_wait3A_145 = arith.constant 0 : i32
      %dma_wait3A_146 = tpu.memref_slice %arg2[%mul3A_2, %dma_wait3A_145] : memref<16384x1024xf32, #tpu.memory_space<hbm>> -> memref<8x1024xf32, #tpu.memory_space<hbm>>
      %dma_wait3A_147 = arith.constant 0 : i32
      %dma_wait3A_148 = tpu.memref_slice %arg2[%mul3A_2, %dma_wait3A_147] : memref<16384x1024xf32, #tpu.memory_space<hbm>> -> memref<8x1024xf32, #tpu.memory_space<hbm>>
      tpu.wait_dma2 semaphore(%arg17 : memref<!tpu.dma_semaphore, #tpu.memory_space<semaphore_mem>>) src(%dma_wait3A_148 : memref<8x1024xf32, #tpu.memory_space<hbm>>) dst(%arg9 : memref<8x1024xf32, #tpu.memory_space<vmem>>)
      %dma_wait3A_149 = arith.constant 0 : i32
      %dma_wait3A_150 = tpu.memref_slice %arg2[%mul3A_2, %dma_wait3A_149] : memref<16384x1024xf32, #tpu.memory_space<hbm>> -> memref<8x1024xf32, #tpu.memory_space<hbm>>
      %dma_wait3A_151 = arith.constant 0 : i32
      %dma_wait3A_152 = tpu.memref_slice %arg2[%mul3A_2, %dma_wait3A_151] : memref<16384x1024xf32, #tpu.memory_space<hbm>> -> memref<8x1024xf32, #tpu.memory_space<hbm>>
      tpu.wait_dma2 semaphore(%arg17 : memref<!tpu.dma_semaphore, #tpu.memory_space<semaphore_mem>>) src(%dma_wait3A_152 : memref<8x1024xf32, #tpu.memory_space<hbm>>) dst(%arg13 : memref<8x1024xf32, #tpu.memory_space<vmem>>)
      %scan3A_153 = arith.constant 0 : i32
      %scan3A_154 = arith.constant 8 : i32
      %scan3A_155 = arith.addi %scan3A_153, %scan3A_154 : i32
      %scan3A_156 = arith.constant 1 : i32
      scf.for %scan3A_197 = %scan3A_153 to %scan3A_155 step %scan3A_156  : i32 {
        %mul3A_198 = arith.constant 1 : i32
        %mul3A_199 = arith.muli %scan3A_197, %mul3A_198 : i32
        %add3A_200 = arith.constant 0 : i32
        %add3A_201 = arith.addi %add3A_200, %mul3A_199 : i32
        %scan3A_202 = arith.constant 0 : i32
        %scan3A_203 = arith.constant 64 : i32
        %scan3A_204 = arith.addi %scan3A_202, %scan3A_203 : i32
        %scan3A_205 = arith.constant 16 : i32
        scf.for %scan3A_207 = %scan3A_202 to %scan3A_204 step %scan3A_205  : i32 {
          %mul3A_208 = arith.constant 1 : i32
          %mul3A_209 = arith.muli %scan3A_207, %mul3A_208 : i32
          %add3A_210 = arith.constant 0 : i32
          %add3A_211 = arith.addi %add3A_210, %mul3A_209 : i32
          %mul3A_212 = arith.constant 16 : i32
          %mul3A_213 = arith.muli %add3A_211, %mul3A_212 : i32
          %get3A = arith.index_cast %add3A_201 : i32 to index
          %get3A_214 = arith.index_cast %mul3A_213 : i32 to index
          %get3A_215 = tpu.vector_load %arg9[%get3A, %get3A_214] {strides = array<i32>} : memref<8x1024xf32, #tpu.memory_space<vmem>>, vector<1x16xf32>,
          %get3A_216 = vector.shape_cast %get3A_215 : vector<1x16xf32> to vector<16xf32>
          %swap3A = arith.index_cast %add3A_201 : i32 to index
          %swap3A_217 = arith.index_cast %mul3A_213 : i32 to index
          %swap3A_218 = tpu.vector_load %arg13[%swap3A, %swap3A_217] {strides = array<i32>} : memref<8x1024xf32, #tpu.memory_space<vmem>>, vector<1x16xf32>,
          %swap3A_219 = vector.shape_cast %swap3A_218 : vector<1x16xf32> to vector<16xf32>
          %swap3A_220 = vector.shape_cast %get3A_216 : vector<16xf32> to vector<1x16xf32>
          tpu.vector_store %arg13[%swap3A, %swap3A_217], %swap3A_220 {add = true, strides = array<i32>} : memref<8x1024xf32, #tpu.memory_space<vmem>>, vector<1x16xf32>,
          %scan3A_221 = arith.constant 1 : i32
          %scan3A_222 = arith.addi %scan3A_207, %scan3A_221 : i32
          %mul3A_223 = arith.constant 1 : i32
          %mul3A_224 = arith.muli %scan3A_222, %mul3A_223 : i32
          %add3A_225 = arith.constant 0 : i32
          %add3A_226 = arith.addi %add3A_225, %mul3A_224 : i32
          %mul3A_227 = arith.constant 16 : i32
          %mul3A_228 = arith.muli %add3A_226, %mul3A_227 : i32
          %get3A_229 = arith.index_cast %add3A_201 : i32 to index
          %get3A_230 = arith.index_cast %mul3A_228 : i32 to index
          %get3A_231 = tpu.vector_load %arg9[%get3A_229, %get3A_230] {strides = array<i32>} : memref<8x1024xf32, #tpu.memory_space<vmem>>, vector<1x16xf32>,
          %get3A_232 = vector.shape_cast %get3A_231 : vector<1x16xf32> to vector<16xf32>
          %swap3A_233 = arith.index_cast %add3A_201 : i32 to index
          %swap3A_234 = arith.index_cast %mul3A_228 : i32 to index
          %swap3A_235 = tpu.vector_load %arg13[%swap3A_233, %swap3A_234] {strides = array<i32>} : memref<8x1024xf32, #tpu.memory_space<vmem>>, vector<1x16xf32>,
          %swap3A_236 = vector.shape_cast %swap3A_235 : vector<1x16xf32> to vector<16xf32>
          %swap3A_237 = vector.shape_cast %get3A_232 : vector<16xf32> to vector<1x16xf32>
          tpu.vector_store %arg13[%swap3A_233, %swap3A_234], %swap3A_237 {add = true, strides = array<i32>} : memref<8x1024xf32, #tpu.memory_space<vmem>>, vector<1x16xf32>,
          %scan3A_238 = arith.constant 2 : i32
          %scan3A_239 = arith.addi %scan3A_207, %scan3A_238 : i32
          %mul3A_240 = arith.constant 1 : i32
          %mul3A_241 = arith.muli %scan3A_239, %mul3A_240 : i32
          %add3A_242 = arith.constant 0 : i32
          %add3A_243 = arith.addi %add3A_242, %mul3A_241 : i32
          %mul3A_244 = arith.constant 16 : i32
          %mul3A_245 = arith.muli %add3A_243, %mul3A_244 : i32
          %get3A_246 = arith.index_cast %add3A_201 : i32 to index
          %get3A_247 = arith.index_cast %mul3A_245 : i32 to index
          %get3A_248 = tpu.vector_load %arg9[%get3A_246, %get3A_247] {strides = array<i32>} : memref<8x1024xf32, #tpu.memory_space<vmem>>, vector<1x16xf32>,
          %get3A_249 = vector.shape_cast %get3A_248 : vector<1x16xf32> to vector<16xf32>
          %swap3A_250 = arith.index_cast %add3A_201 : i32 to index
          %swap3A_251 = arith.index_cast %mul3A_245 : i32 to index
          %swap3A_252 = tpu.vector_load %arg13[%swap3A_250, %swap3A_251] {strides = array<i32>} : memref<8x1024xf32, #tpu.memory_space<vmem>>, vector<1x16xf32>,
          %swap3A_253 = vector.shape_cast %swap3A_252 : vector<1x16xf32> to vector<16xf32>
          %swap3A_254 = vector.shape_cast %get3A_249 : vector<16xf32> to vector<1x16xf32>
          tpu.vector_store %arg13[%swap3A_250, %swap3A_251], %swap3A_254 {add = true, strides = array<i32>} : memref<8x1024xf32, #tpu.memory_space<vmem>>, vector<1x16xf32>,
          %scan3A_255 = arith.constant 3 : i32
          %scan3A_256 = arith.addi %scan3A_207, %scan3A_255 : i32
          %mul3A_257 = arith.constant 1 : i32
          %mul3A_258 = arith.muli %scan3A_256, %mul3A_257 : i32
          %add3A_259 = arith.constant 0 : i32
          %add3A_260 = arith.addi %add3A_259, %mul3A_258 : i32
          %mul3A_261 = arith.constant 16 : i32
          %mul3A_262 = arith.muli %add3A_260, %mul3A_261 : i32
          %get3A_263 = arith.index_cast %add3A_201 : i32 to index
          %get3A_264 = arith.index_cast %mul3A_262 : i32 to index
          %get3A_265 = tpu.vector_load %arg9[%get3A_263, %get3A_264] {strides = array<i32>} : memref<8x1024xf32, #tpu.memory_space<vmem>>, vector<1x16xf32>,
          %get3A_266 = vector.shape_cast %get3A_265 : vector<1x16xf32> to vector<16xf32>
          %swap3A_267 = arith.index_cast %add3A_201 : i32 to index
          %swap3A_268 = arith.index_cast %mul3A_262 : i32 to index
          %swap3A_269 = tpu.vector_load %arg13[%swap3A_267, %swap3A_268] {strides = array<i32>} : memref<8x1024xf32, #tpu.memory_space<vmem>>, vector<1x16xf32>,
          %swap3A_270 = vector.shape_cast %swap3A_269 : vector<1x16xf32> to vector<16xf32>
          %swap3A_271 = vector.shape_cast %get3A_266 : vector<16xf32> to vector<1x16xf32>
          tpu.vector_store %arg13[%swap3A_267, %swap3A_268], %swap3A_271 {add = true, strides = array<i32>} : memref<8x1024xf32, #tpu.memory_space<vmem>>, vector<1x16xf32>,
          %scan3A_272 = arith.constant 4 : i32
          %scan3A_273 = arith.addi %scan3A_207, %scan3A_272 : i32
          %mul3A_274 = arith.constant 1 : i32
          %mul3A_275 = arith.muli %scan3A_273, %mul3A_274 : i32
          %add3A_276 = arith.constant 0 : i32
          %add3A_277 = arith.addi %add3A_276, %mul3A_275 : i32
          %mul3A_278 = arith.constant 16 : i32
          %mul3A_279 = arith.muli %add3A_277, %mul3A_278 : i32
          %get3A_280 = arith.index_cast %add3A_201 : i32 to index
          %get3A_281 = arith.index_cast %mul3A_279 : i32 to index
          %get3A_282 = tpu.vector_load %arg9[%get3A_280, %get3A_281] {strides = array<i32>} : memref<8x1024xf32, #tpu.memory_space<vmem>>, vector<1x16xf32>,
          %get3A_283 = vector.shape_cast %get3A_282 : vector<1x16xf32> to vector<16xf32>
          %swap3A_284 = arith.index_cast %add3A_201 : i32 to index
          %swap3A_285 = arith.index_cast %mul3A_279 : i32 to index
          %swap3A_286 = tpu.vector_load %arg13[%swap3A_284, %swap3A_285] {strides = array<i32>} : memref<8x1024xf32, #tpu.memory_space<vmem>>, vector<1x16xf32>,
          %swap3A_287 = vector.shape_cast %swap3A_286 : vector<1x16xf32> to vector<16xf32>
          %swap3A_288 = vector.shape_cast %get3A_283 : vector<16xf32> to vector<1x16xf32>
          tpu.vector_store %arg13[%swap3A_284, %swap3A_285], %swap3A_288 {add = true, strides = array<i32>} : memref<8x1024xf32, #tpu.memory_space<vmem>>, vector<1x16xf32>,
          %scan3A_289 = arith.constant 5 : i32
          %scan3A_290 = arith.addi %scan3A_207, %scan3A_289 : i32
          %mul3A_291 = arith.constant 1 : i32
          %mul3A_292 = arith.muli %scan3A_290, %mul3A_291 : i32
          %add3A_293 = arith.constant 0 : i32
          %add3A_294 = arith.addi %add3A_293, %mul3A_292 : i32
          %mul3A_295 = arith.constant 16 : i32
          %mul3A_296 = arith.muli %add3A_294, %mul3A_295 : i32
          %get3A_297 = arith.index_cast %add3A_201 : i32 to index
          %get3A_298 = arith.index_cast %mul3A_296 : i32 to index
          %get3A_299 = tpu.vector_load %arg9[%get3A_297, %get3A_298] {strides = array<i32>} : memref<8x1024xf32, #tpu.memory_space<vmem>>, vector<1x16xf32>,
          %get3A_300 = vector.shape_cast %get3A_299 : vector<1x16xf32> to vector<16xf32>
          %swap3A_301 = arith.index_cast %add3A_201 : i32 to index
          %swap3A_302 = arith.index_cast %mul3A_296 : i32 to index
          %swap3A_303 = tpu.vector_load %arg13[%swap3A_301, %swap3A_302] {strides = array<i32>} : memref<8x1024xf32, #tpu.memory_space<vmem>>, vector<1x16xf32>,
          %swap3A_304 = vector.shape_cast %swap3A_303 : vector<1x16xf32> to vector<16xf32>
          %swap3A_305 = vector.shape_cast %get3A_300 : vector<16xf32> to vector<1x16xf32>
          tpu.vector_store %arg13[%swap3A_301, %swap3A_302], %swap3A_305 {add = true, strides = array<i32>} : memref<8x1024xf32, #tpu.memory_space<vmem>>, vector<1x16xf32>,
          %scan3A_306 = arith.constant 6 : i32
          %scan3A_307 = arith.addi %scan3A_207, %scan3A_306 : i32
          %mul3A_308 = arith.constant 1 : i32
          %mul3A_309 = arith.muli %scan3A_307, %mul3A_308 : i32
          %add3A_310 = arith.constant 0 : i32
          %add3A_311 = arith.addi %add3A_310, %mul3A_309 : i32
          %mul3A_312 = arith.constant 16 : i32
          %mul3A_313 = arith.muli %add3A_311, %mul3A_312 : i32
          %get3A_314 = arith.index_cast %add3A_201 : i32 to index
          %get3A_315 = arith.index_cast %mul3A_313 : i32 to index
          %get3A_316 = tpu.vector_load %arg9[%get3A_314, %get3A_315] {strides = array<i32>} : memref<8x1024xf32, #tpu.memory_space<vmem>>, vector<1x16xf32>,
          %get3A_317 = vector.shape_cast %get3A_316 : vector<1x16xf32> to vector<16xf32>
          %swap3A_318 = arith.index_cast %add3A_201 : i32 to index
          %swap3A_319 = arith.index_cast %mul3A_313 : i32 to index
          %swap3A_320 = tpu.vector_load %arg13[%swap3A_318, %swap3A_319] {strides = array<i32>} : memref<8x1024xf32, #tpu.memory_space<vmem>>, vector<1x16xf32>,
          %swap3A_321 = vector.shape_cast %swap3A_320 : vector<1x16xf32> to vector<16xf32>
          %swap3A_322 = vector.shape_cast %get3A_317 : vector<16xf32> to vector<1x16xf32>
          tpu.vector_store %arg13[%swap3A_318, %swap3A_319], %swap3A_322 {add = true, strides = array<i32>} : memref<8x1024xf32, #tpu.memory_space<vmem>>, vector<1x16xf32>,
          %scan3A_323 = arith.constant 7 : i32
          %scan3A_324 = arith.addi %scan3A_207, %scan3A_323 : i32
          %mul3A_325 = arith.constant 1 : i32
          %mul3A_326 = arith.muli %scan3A_324, %mul3A_325 : i32
          %add3A_327 = arith.constant 0 : i32
          %add3A_328 = arith.addi %add3A_327, %mul3A_326 : i32
          %mul3A_329 = arith.constant 16 : i32
          %mul3A_330 = arith.muli %add3A_328, %mul3A_329 : i32
          %get3A_331 = arith.index_cast %add3A_201 : i32 to index
          %get3A_332 = arith.index_cast %mul3A_330 : i32 to index
          %get3A_333 = tpu.vector_load %arg9[%get3A_331, %get3A_332] {strides = array<i32>} : memref<8x1024xf32, #tpu.memory_space<vmem>>, vector<1x16xf32>,
          %get3A_334 = vector.shape_cast %get3A_333 : vector<1x16xf32> to vector<16xf32>
          %swap3A_335 = arith.index_cast %add3A_201 : i32 to index
          %swap3A_336 = arith.index_cast %mul3A_330 : i32 to index
          %swap3A_337 = tpu.vector_load %arg13[%swap3A_335, %swap3A_336] {strides = array<i32>} : memref<8x1024xf32, #tpu.memory_space<vmem>>, vector<1x16xf32>,
          %swap3A_338 = vector.shape_cast %swap3A_337 : vector<1x16xf32> to vector<16xf32>
          %swap3A_339 = vector.shape_cast %get3A_334 : vector<16xf32> to vector<1x16xf32>
          tpu.vector_store %arg13[%swap3A_335, %swap3A_336], %swap3A_339 {add = true, strides = array<i32>} : memref<8x1024xf32, #tpu.memory_space<vmem>>, vector<1x16xf32>,
          %scan3A_340 = arith.constant 8 : i32
          %scan3A_341 = arith.addi %scan3A_207, %scan3A_340 : i32
          %mul3A_342 = arith.constant 1 : i32
          %mul3A_343 = arith.muli %scan3A_341, %mul3A_342 : i32
          %add3A_344 = arith.constant 0 : i32
          %add3A_345 = arith.addi %add3A_344, %mul3A_343 : i32
          %mul3A_346 = arith.constant 16 : i32
          %mul3A_347 = arith.muli %add3A_345, %mul3A_346 : i32
          %get3A_348 = arith.index_cast %add3A_201 : i32 to index
          %get3A_349 = arith.index_cast %mul3A_347 : i32 to index
          %get3A_350 = tpu.vector_load %arg9[%get3A_348, %get3A_349] {strides = array<i32>} : memref<8x1024xf32, #tpu.memory_space<vmem>>, vector<1x16xf32>,
          %get3A_351 = vector.shape_cast %get3A_350 : vector<1x16xf32> to vector<16xf32>
          %swap3A_352 = arith.index_cast %add3A_201 : i32 to index
          %swap3A_353 = arith.index_cast %mul3A_347 : i32 to index
          %swap3A_354 = tpu.vector_load %arg13[%swap3A_352, %swap3A_353] {strides = array<i32>} : memref<8x1024xf32, #tpu.memory_space<vmem>>, vector<1x16xf32>,
          %swap3A_355 = vector.shape_cast %swap3A_354 : vector<1x16xf32> to vector<16xf32>
          %swap3A_356 = vector.shape_cast %get3A_351 : vector<16xf32> to vector<1x16xf32>
          tpu.vector_store %arg13[%swap3A_352, %swap3A_353], %swap3A_356 {add = true, strides = array<i32>} : memref<8x1024xf32, #tpu.memory_space<vmem>>, vector<1x16xf32>,
          %scan3A_357 = arith.constant 9 : i32
          %scan3A_358 = arith.addi %scan3A_207, %scan3A_357 : i32
          %mul3A_359 = arith.constant 1 : i32
          %mul3A_360 = arith.muli %scan3A_358, %mul3A_359 : i32
          %add3A_361 = arith.constant 0 : i32
          %add3A_362 = arith.addi %add3A_361, %mul3A_360 : i32
          %mul3A_363 = arith.constant 16 : i32
          %mul3A_364 = arith.muli %add3A_362, %mul3A_363 : i32
          %get3A_365 = arith.index_cast %add3A_201 : i32 to index
          %get3A_366 = arith.index_cast %mul3A_364 : i32 to index
          %get3A_367 = tpu.vector_load %arg9[%get3A_365, %get3A_366] {strides = array<i32>} : memref<8x1024xf32, #tpu.memory_space<vmem>>, vector<1x16xf32>,
          %get3A_368 = vector.shape_cast %get3A_367 : vector<1x16xf32> to vector<16xf32>
          %swap3A_369 = arith.index_cast %add3A_201 : i32 to index
          %swap3A_370 = arith.index_cast %mul3A_364 : i32 to index
          %swap3A_371 = tpu.vector_load %arg13[%swap3A_369, %swap3A_370] {strides = array<i32>} : memref<8x1024xf32, #tpu.memory_space<vmem>>, vector<1x16xf32>,
          %swap3A_372 = vector.shape_cast %swap3A_371 : vector<1x16xf32> to vector<16xf32>
          %swap3A_373 = vector.shape_cast %get3A_368 : vector<16xf32> to vector<1x16xf32>
          tpu.vector_store %arg13[%swap3A_369, %swap3A_370], %swap3A_373 {add = true, strides = array<i32>} : memref<8x1024xf32, #tpu.memory_space<vmem>>, vector<1x16xf32>,
          %scan3A_374 = arith.constant 10 : i32
          %scan3A_375 = arith.addi %scan3A_207, %scan3A_374 : i32
          %mul3A_376 = arith.constant 1 : i32
          %mul3A_377 = arith.muli %scan3A_375, %mul3A_376 : i32
          %add3A_378 = arith.constant 0 : i32
          %add3A_379 = arith.addi %add3A_378, %mul3A_377 : i32
          %mul3A_380 = arith.constant 16 : i32
          %mul3A_381 = arith.muli %add3A_379, %mul3A_380 : i32
          %get3A_382 = arith.index_cast %add3A_201 : i32 to index
          %get3A_383 = arith.index_cast %mul3A_381 : i32 to index
          %get3A_384 = tpu.vector_load %arg9[%get3A_382, %get3A_383] {strides = array<i32>} : memref<8x1024xf32, #tpu.memory_space<vmem>>, vector<1x16xf32>,
          %get3A_385 = vector.shape_cast %get3A_384 : vector<1x16xf32> to vector<16xf32>
          %swap3A_386 = arith.index_cast %add3A_201 : i32 to index
          %swap3A_387 = arith.index_cast %mul3A_381 : i32 to index
          %swap3A_388 = tpu.vector_load %arg13[%swap3A_386, %swap3A_387] {strides = array<i32>} : memref<8x1024xf32, #tpu.memory_space<vmem>>, vector<1x16xf32>,
          %swap3A_389 = vector.shape_cast %swap3A_388 : vector<1x16xf32> to vector<16xf32>
          %swap3A_390 = vector.shape_cast %get3A_385 : vector<16xf32> to vector<1x16xf32>
          tpu.vector_store %arg13[%swap3A_386, %swap3A_387], %swap3A_390 {add = true, strides = array<i32>} : memref<8x1024xf32, #tpu.memory_space<vmem>>, vector<1x16xf32>,
          %scan3A_391 = arith.constant 11 : i32
          %scan3A_392 = arith.addi %scan3A_207, %scan3A_391 : i32
          %mul3A_393 = arith.constant 1 : i32
          %mul3A_394 = arith.muli %scan3A_392, %mul3A_393 : i32
          %add3A_395 = arith.constant 0 : i32
          %add3A_396 = arith.addi %add3A_395, %mul3A_394 : i32
          %mul3A_397 = arith.constant 16 : i32
          %mul3A_398 = arith.muli %add3A_396, %mul3A_397 : i32
          %get3A_399 = arith.index_cast %add3A_201 : i32 to index
          %get3A_400 = arith.index_cast %mul3A_398 : i32 to index
          %get3A_401 = tpu.vector_load %arg9[%get3A_399, %get3A_400] {strides = array<i32>} : memref<8x1024xf32, #tpu.memory_space<vmem>>, vector<1x16xf32>,
          %get3A_402 = vector.shape_cast %get3A_401 : vector<1x16xf32> to vector<16xf32>
          %swap3A_403 = arith.index_cast %add3A_201 : i32 to index
          %swap3A_404 = arith.index_cast %mul3A_398 : i32 to index
          %swap3A_405 = tpu.vector_load %arg13[%swap3A_403, %swap3A_404] {strides = array<i32>} : memref<8x1024xf32, #tpu.memory_space<vmem>>, vector<1x16xf32>,
          %swap3A_406 = vector.shape_cast %swap3A_405 : vector<1x16xf32> to vector<16xf32>
          %swap3A_407 = vector.shape_cast %get3A_402 : vector<16xf32> to vector<1x16xf32>
          tpu.vector_store %arg13[%swap3A_403, %swap3A_404], %swap3A_407 {add = true, strides = array<i32>} : memref<8x1024xf32, #tpu.memory_space<vmem>>, vector<1x16xf32>,
          %scan3A_408 = arith.constant 12 : i32
          %scan3A_409 = arith.addi %scan3A_207, %scan3A_408 : i32
          %mul3A_410 = arith.constant 1 : i32
          %mul3A_411 = arith.muli %scan3A_409, %mul3A_410 : i32
          %add3A_412 = arith.constant 0 : i32
          %add3A_413 = arith.addi %add3A_412, %mul3A_411 : i32
          %mul3A_414 = arith.constant 16 : i32
          %mul3A_415 = arith.muli %add3A_413, %mul3A_414 : i32
          %get3A_416 = arith.index_cast %add3A_201 : i32 to index
          %get3A_417 = arith.index_cast %mul3A_415 : i32 to index
          %get3A_418 = tpu.vector_load %arg9[%get3A_416, %get3A_417] {strides = array<i32>} : memref<8x1024xf32, #tpu.memory_space<vmem>>, vector<1x16xf32>,
          %get3A_419 = vector.shape_cast %get3A_418 : vector<1x16xf32> to vector<16xf32>
          %swap3A_420 = arith.index_cast %add3A_201 : i32 to index
          %swap3A_421 = arith.index_cast %mul3A_415 : i32 to index
          %swap3A_422 = tpu.vector_load %arg13[%swap3A_420, %swap3A_421] {strides = array<i32>} : memref<8x1024xf32, #tpu.memory_space<vmem>>, vector<1x16xf32>,
          %swap3A_423 = vector.shape_cast %swap3A_422 : vector<1x16xf32> to vector<16xf32>
          %swap3A_424 = vector.shape_cast %get3A_419 : vector<16xf32> to vector<1x16xf32>
          tpu.vector_store %arg13[%swap3A_420, %swap3A_421], %swap3A_424 {add = true, strides = array<i32>} : memref<8x1024xf32, #tpu.memory_space<vmem>>, vector<1x16xf32>,
          %scan3A_425 = arith.constant 13 : i32
          %scan3A_426 = arith.addi %scan3A_207, %scan3A_425 : i32
          %mul3A_427 = arith.constant 1 : i32
          %mul3A_428 = arith.muli %scan3A_426, %mul3A_427 : i32
          %add3A_429 = arith.constant 0 : i32
          %add3A_430 = arith.addi %add3A_429, %mul3A_428 : i32
          %mul3A_431 = arith.constant 16 : i32
          %mul3A_432 = arith.muli %add3A_430, %mul3A_431 : i32
          %get3A_433 = arith.index_cast %add3A_201 : i32 to index
          %get3A_434 = arith.index_cast %mul3A_432 : i32 to index
          %get3A_435 = tpu.vector_load %arg9[%get3A_433, %get3A_434] {strides = array<i32>} : memref<8x1024xf32, #tpu.memory_space<vmem>>, vector<1x16xf32>,
          %get3A_436 = vector.shape_cast %get3A_435 : vector<1x16xf32> to vector<16xf32>
          %swap3A_437 = arith.index_cast %add3A_201 : i32 to index
          %swap3A_438 = arith.index_cast %mul3A_432 : i32 to index
          %swap3A_439 = tpu.vector_load %arg13[%swap3A_437, %swap3A_438] {strides = array<i32>} : memref<8x1024xf32, #tpu.memory_space<vmem>>, vector<1x16xf32>,
          %swap3A_440 = vector.shape_cast %swap3A_439 : vector<1x16xf32> to vector<16xf32>
          %swap3A_441 = vector.shape_cast %get3A_436 : vector<16xf32> to vector<1x16xf32>
          tpu.vector_store %arg13[%swap3A_437, %swap3A_438], %swap3A_441 {add = true, strides = array<i32>} : memref<8x1024xf32, #tpu.memory_space<vmem>>, vector<1x16xf32>,
          %scan3A_442 = arith.constant 14 : i32
          %scan3A_443 = arith.addi %scan3A_207, %scan3A_442 : i32
          %mul3A_444 = arith.constant 1 : i32
          %mul3A_445 = arith.muli %scan3A_443, %mul3A_444 : i32
          %add3A_446 = arith.constant 0 : i32
          %add3A_447 = arith.addi %add3A_446, %mul3A_445 : i32
          %mul3A_448 = arith.constant 16 : i32
          %mul3A_449 = arith.muli %add3A_447, %mul3A_448 : i32
          %get3A_450 = arith.index_cast %add3A_201 : i32 to index
          %get3A_451 = arith.index_cast %mul3A_449 : i32 to index
          %get3A_452 = tpu.vector_load %arg9[%get3A_450, %get3A_451] {strides = array<i32>} : memref<8x1024xf32, #tpu.memory_space<vmem>>, vector<1x16xf32>,
          %get3A_453 = vector.shape_cast %get3A_452 : vector<1x16xf32> to vector<16xf32>
          %swap3A_454 = arith.index_cast %add3A_201 : i32 to index
          %swap3A_455 = arith.index_cast %mul3A_449 : i32 to index
          %swap3A_456 = tpu.vector_load %arg13[%swap3A_454, %swap3A_455] {strides = array<i32>} : memref<8x1024xf32, #tpu.memory_space<vmem>>, vector<1x16xf32>,
          %swap3A_457 = vector.shape_cast %swap3A_456 : vector<1x16xf32> to vector<16xf32>
          %swap3A_458 = vector.shape_cast %get3A_453 : vector<16xf32> to vector<1x16xf32>
          tpu.vector_store %arg13[%swap3A_454, %swap3A_455], %swap3A_458 {add = true, strides = array<i32>} : memref<8x1024xf32, #tpu.memory_space<vmem>>, vector<1x16xf32>,
          %scan3A_459 = arith.constant 15 : i32
          %scan3A_460 = arith.addi %scan3A_207, %scan3A_459 : i32
          %mul3A_461 = arith.constant 1 : i32
          %mul3A_462 = arith.muli %scan3A_460, %mul3A_461 : i32
          %add3A_463 = arith.constant 0 : i32
          %add3A_464 = arith.addi %add3A_463, %mul3A_462 : i32
          %mul3A_465 = arith.constant 16 : i32
          %mul3A_466 = arith.muli %add3A_464, %mul3A_465 : i32
          %get3A_467 = arith.index_cast %add3A_201 : i32 to index
          %get3A_468 = arith.index_cast %mul3A_466 : i32 to index
          %get3A_469 = tpu.vector_load %arg9[%get3A_467, %get3A_468] {strides = array<i32>} : memref<8x1024xf32, #tpu.memory_space<vmem>>, vector<1x16xf32>,
          %get3A_470 = vector.shape_cast %get3A_469 : vector<1x16xf32> to vector<16xf32>
          %swap3A_471 = arith.index_cast %add3A_201 : i32 to index
          %swap3A_472 = arith.index_cast %mul3A_466 : i32 to index
          %swap3A_473 = tpu.vector_load %arg13[%swap3A_471, %swap3A_472] {strides = array<i32>} : memref<8x1024xf32, #tpu.memory_space<vmem>>, vector<1x16xf32>,
          %swap3A_474 = vector.shape_cast %swap3A_473 : vector<1x16xf32> to vector<16xf32>
          %swap3A_475 = vector.shape_cast %get3A_470 : vector<16xf32> to vector<1x16xf32>
          tpu.vector_store %arg13[%swap3A_471, %swap3A_472], %swap3A_475 {add = true, strides = array<i32>} : memref<8x1024xf32, #tpu.memory_space<vmem>>, vector<1x16xf32>,
        }
        %scan3A_206 = arith.constant 64 : i32
      }
      %scan3A_157 = arith.constant 8 : i32
      %mul3A_158 = arith.constant 8 : i32
      %mul3A_159 = arith.muli %add3A_134, %mul3A_158 : i32
      %add3A_160 = arith.addi %mul3A_2, %mul3A_159 : i32
      %dma_start3A_161 = arith.constant 0 : i32
      %dma_start3A_162 = tpu.memref_slice %arg5[%add3A_160, %dma_start3A_161] : memref<16384x1024xf32, #tpu.memory_space<hbm>> -> memref<8x1024xf32, #tpu.memory_space<hbm>>
      %dma_start3A_163 = arith.constant 0 : i32
      %dma_start3A_164 = tpu.memref_slice %arg5[%add3A_160, %dma_start3A_163] : memref<16384x1024xf32, #tpu.memory_space<hbm>> -> memref<8x1024xf32, #tpu.memory_space<hbm>>
      tpu.enqueue_dma source(%arg13 : memref<8x1024xf32, #tpu.memory_space<vmem>>) target(%dma_start3A_164 : memref<8x1024xf32, #tpu.memory_space<hbm>>) target_semaphore(%arg21 : memref<!tpu.dma_semaphore, #tpu.memory_space<semaphore_mem>>)
      %add3A_165 = arith.constant 3 : i32
      %add3A_166 = arith.addi %add3A_73, %add3A_165 : i32
      %ge3A_167 = arith.constant 2 : i32
      %ge3A_168 = arith.cmpi sge, %add3A_166, %ge3A_167 : i32
      %add3A_169 = arith.constant 2 : i32
      %add3A_170 = arith.addi %add3A_166, %add3A_169 : i32
      %lt3A_171 = arith.constant 64 : i32
      %lt3A_172 = arith.cmpi slt, %add3A_170, %lt3A_171 : i32
      %and3A_173 = arith.andi %ge3A_168, %lt3A_172 : i1
      %convert_element_type3A_174 = arith.extui %and3A_173 : i1 to i32
      %cond3A_175 = arith.constant 0 : i32
      %cond3A_176 = arith.cmpi ne, %convert_element_type3A_174, %cond3A_175 : i32
      scf.if %cond3A_176 {
        %dma_wait3A_197 = arith.constant 0 : i32
        %dma_wait3A_198 = tpu.memref_slice %arg2[%mul3A_2, %dma_wait3A_197] : memref<16384x1024xf32, #tpu.memory_space<hbm>> -> memref<8x1024xf32, #tpu.memory_space<hbm>>
        %dma_wait3A_199 = arith.constant 0 : i32
        %dma_wait3A_200 = tpu.memref_slice %arg2[%mul3A_2, %dma_wait3A_199] : memref<16384x1024xf32, #tpu.memory_space<hbm>> -> memref<8x1024xf32, #tpu.memory_space<hbm>>
        tpu.wait_dma2 semaphore(%arg20 : memref<!tpu.dma_semaphore, #tpu.memory_space<semaphore_mem>>) src(%dma_wait3A_200 : memref<8x1024xf32, #tpu.memory_space<hbm>>) dst(%arg12 : memref<8x1024xf32, #tpu.memory_space<vmem>>)
        %add3A_201 = arith.constant 2 : i32
        %add3A_202 = arith.addi %add3A_166, %add3A_201 : i32
        %mul3A_203 = arith.constant 8 : i32
        %mul3A_204 = arith.muli %add3A_202, %mul3A_203 : i32
        %add3A_205 = arith.addi %mul3A_2, %mul3A_204 : i32
        %dma_start3A_206 = arith.constant 0 : i32
        %dma_start3A_207 = tpu.memref_slice %arg2[%add3A_205, %dma_start3A_206] : memref<16384x1024xf32, #tpu.memory_space<hbm>> -> memref<8x1024xf32, #tpu.memory_space<hbm>>
        %dma_start3A_208 = arith.constant 0 : i32
        %dma_start3A_209 = tpu.memref_slice %arg2[%add3A_205, %dma_start3A_208] : memref<16384x1024xf32, #tpu.memory_space<hbm>> -> memref<8x1024xf32, #tpu.memory_space<hbm>>
        tpu.enqueue_dma source(%dma_start3A_209 : memref<8x1024xf32, #tpu.memory_space<hbm>>) target(%arg12 : memref<8x1024xf32, #tpu.memory_space<vmem>>) target_semaphore(%arg16 : memref<!tpu.dma_semaphore, #tpu.memory_space<semaphore_mem>>)
        %mul3A_210 = arith.constant 8 : i32
        %mul3A_211 = arith.muli %add3A_202, %mul3A_210 : i32
        %dma_start3A_212 = tpu.memref_slice %arg6[%mul3A_211] : memref<512xi32, #tpu.memory_space<vmem>> -> memref<8xi32, #tpu.memory_space<vmem>>
        %dma_start3A_213 = arith.constant 0 : i32
        %dma_start3A_214 = arith.constant 0 : i32
        %dma_start3A_215 = tpu.memref_slice %arg4[%dma_start3A_213, %dma_start3A_214] : memref<8192x1024xf32, #tpu.memory_space<hbm>> -> memref<8192x1024xf32, #tpu.memory_space<hbm>>
        tpu.enqueue_indirect_dma source(%dma_start3A_215 : memref<8192x1024xf32, #tpu.memory_space<hbm>>) target(%arg8 : memref<8x1024xf32, #tpu.memory_space<vmem>>) offsets(%dma_start3A_212 : memref<8xi32, #tpu.memory_space<vmem>>) semaphore(%arg16 : memref<!tpu.dma_semaphore, #tpu.memory_space<semaphore_mem>>)
      } else {
      }
      %dma_wait3A_177 = arith.constant 0 : i32
      %dma_wait3A_178 = tpu.memref_slice %arg2[%mul3A_2, %dma_wait3A_177] : memref<16384x1024xf32, #tpu.memory_space<hbm>> -> memref<8x1024xf32, #tpu.memory_space<hbm>>
      %dma_wait3A_179 = arith.constant 0 : i32
      %dma_wait3A_180 = tpu.memref_slice %arg2[%mul3A_2, %dma_wait3A_179] : memref<16384x1024xf32, #tpu.memory_space<hbm>> -> memref<8x1024xf32, #tpu.memory_space<hbm>>
      tpu.wait_dma2 semaphore(%arg18 : memref<!tpu.dma_semaphore, #tpu.memory_space<semaphore_mem>>) src(%dma_wait3A_180 : memref<8x1024xf32, #tpu.memory_space<hbm>>) dst(%arg10 : memref<8x1024xf32, #tpu.memory_space<vmem>>)
      %dma_wait3A_181 = arith.constant 0 : i32
      %dma_wait3A_182 = tpu.memref_slice %arg2[%mul3A_2, %dma_wait3A_181] : memref<16384x1024xf32, #tpu.memory_space<hbm>> -> memref<8x1024xf32, #tpu.memory_space<hbm>>
      %dma_wait3A_183 = arith.constant 0 : i32
      %dma_wait3A_184 = tpu.memref_slice %arg2[%mul3A_2, %dma_wait3A_183] : memref<16384x1024xf32, #tpu.memory_space<hbm>> -> memref<8x1024xf32, #tpu.memory_space<hbm>>
      tpu.wait_dma2 semaphore(%arg18 : memref<!tpu.dma_semaphore, #tpu.memory_space<semaphore_mem>>) src(%dma_wait3A_184 : memref<8x1024xf32, #tpu.memory_space<hbm>>) dst(%arg14 : memref<8x1024xf32, #tpu.memory_space<vmem>>)
      %scan3A_185 = arith.constant 0 : i32
      %scan3A_186 = arith.constant 8 : i32
      %scan3A_187 = arith.addi %scan3A_185, %scan3A_186 : i32
      %scan3A_188 = arith.constant 1 : i32
      scf.for %scan3A_197 = %scan3A_185 to %scan3A_187 step %scan3A_188  : i32 {
        %mul3A_198 = arith.constant 1 : i32
        %mul3A_199 = arith.muli %scan3A_197, %mul3A_198 : i32
        %add3A_200 = arith.constant 0 : i32
        %add3A_201 = arith.addi %add3A_200, %mul3A_199 : i32
        %scan3A_202 = arith.constant 0 : i32
        %scan3A_203 = arith.constant 64 : i32
        %scan3A_204 = arith.addi %scan3A_202, %scan3A_203 : i32
        %scan3A_205 = arith.constant 16 : i32
        scf.for %scan3A_207 = %scan3A_202 to %scan3A_204 step %scan3A_205  : i32 {
          %mul3A_208 = arith.constant 1 : i32
          %mul3A_209 = arith.muli %scan3A_207, %mul3A_208 : i32
          %add3A_210 = arith.constant 0 : i32
          %add3A_211 = arith.addi %add3A_210, %mul3A_209 : i32
          %mul3A_212 = arith.constant 16 : i32
          %mul3A_213 = arith.muli %add3A_211, %mul3A_212 : i32
          %get3A = arith.index_cast %add3A_201 : i32 to index
          %get3A_214 = arith.index_cast %mul3A_213 : i32 to index
          %get3A_215 = tpu.vector_load %arg10[%get3A, %get3A_214] {strides = array<i32>} : memref<8x1024xf32, #tpu.memory_space<vmem>>, vector<1x16xf32>,
          %get3A_216 = vector.shape_cast %get3A_215 : vector<1x16xf32> to vector<16xf32>
          %swap3A = arith.index_cast %add3A_201 : i32 to index
          %swap3A_217 = arith.index_cast %mul3A_213 : i32 to index
          %swap3A_218 = tpu.vector_load %arg14[%swap3A, %swap3A_217] {strides = array<i32>} : memref<8x1024xf32, #tpu.memory_space<vmem>>, vector<1x16xf32>,
          %swap3A_219 = vector.shape_cast %swap3A_218 : vector<1x16xf32> to vector<16xf32>
          %swap3A_220 = vector.shape_cast %get3A_216 : vector<16xf32> to vector<1x16xf32>
          tpu.vector_store %arg14[%swap3A, %swap3A_217], %swap3A_220 {add = true, strides = array<i32>} : memref<8x1024xf32, #tpu.memory_space<vmem>>, vector<1x16xf32>,
          %scan3A_221 = arith.constant 1 : i32
          %scan3A_222 = arith.addi %scan3A_207, %scan3A_221 : i32
          %mul3A_223 = arith.constant 1 : i32
          %mul3A_224 = arith.muli %scan3A_222, %mul3A_223 : i32
          %add3A_225 = arith.constant 0 : i32
          %add3A_226 = arith.addi %add3A_225, %mul3A_224 : i32
          %mul3A_227 = arith.constant 16 : i32
          %mul3A_228 = arith.muli %add3A_226, %mul3A_227 : i32
          %get3A_229 = arith.index_cast %add3A_201 : i32 to index
          %get3A_230 = arith.index_cast %mul3A_228 : i32 to index
          %get3A_231 = tpu.vector_load %arg10[%get3A_229, %get3A_230] {strides = array<i32>} : memref<8x1024xf32, #tpu.memory_space<vmem>>, vector<1x16xf32>,
          %get3A_232 = vector.shape_cast %get3A_231 : vector<1x16xf32> to vector<16xf32>
          %swap3A_233 = arith.index_cast %add3A_201 : i32 to index
          %swap3A_234 = arith.index_cast %mul3A_228 : i32 to index
          %swap3A_235 = tpu.vector_load %arg14[%swap3A_233, %swap3A_234] {strides = array<i32>} : memref<8x1024xf32, #tpu.memory_space<vmem>>, vector<1x16xf32>,
          %swap3A_236 = vector.shape_cast %swap3A_235 : vector<1x16xf32> to vector<16xf32>
          %swap3A_237 = vector.shape_cast %get3A_232 : vector<16xf32> to vector<1x16xf32>
          tpu.vector_store %arg14[%swap3A_233, %swap3A_234], %swap3A_237 {add = true, strides = array<i32>} : memref<8x1024xf32, #tpu.memory_space<vmem>>, vector<1x16xf32>,
          %scan3A_238 = arith.constant 2 : i32
          %scan3A_239 = arith.addi %scan3A_207, %scan3A_238 : i32
          %mul3A_240 = arith.constant 1 : i32
          %mul3A_241 = arith.muli %scan3A_239, %mul3A_240 : i32
          %add3A_242 = arith.constant 0 : i32
          %add3A_243 = arith.addi %add3A_242, %mul3A_241 : i32
          %mul3A_244 = arith.constant 16 : i32
          %mul3A_245 = arith.muli %add3A_243, %mul3A_244 : i32
          %get3A_246 = arith.index_cast %add3A_201 : i32 to index
          %get3A_247 = arith.index_cast %mul3A_245 : i32 to index
          %get3A_248 = tpu.vector_load %arg10[%get3A_246, %get3A_247] {strides = array<i32>} : memref<8x1024xf32, #tpu.memory_space<vmem>>, vector<1x16xf32>,
          %get3A_249 = vector.shape_cast %get3A_248 : vector<1x16xf32> to vector<16xf32>
          %swap3A_250 = arith.index_cast %add3A_201 : i32 to index
          %swap3A_251 = arith.index_cast %mul3A_245 : i32 to index
          %swap3A_252 = tpu.vector_load %arg14[%swap3A_250, %swap3A_251] {strides = array<i32>} : memref<8x1024xf32, #tpu.memory_space<vmem>>, vector<1x16xf32>,
          %swap3A_253 = vector.shape_cast %swap3A_252 : vector<1x16xf32> to vector<16xf32>
          %swap3A_254 = vector.shape_cast %get3A_249 : vector<16xf32> to vector<1x16xf32>
          tpu.vector_store %arg14[%swap3A_250, %swap3A_251], %swap3A_254 {add = true, strides = array<i32>} : memref<8x1024xf32, #tpu.memory_space<vmem>>, vector<1x16xf32>,
          %scan3A_255 = arith.constant 3 : i32
          %scan3A_256 = arith.addi %scan3A_207, %scan3A_255 : i32
          %mul3A_257 = arith.constant 1 : i32
          %mul3A_258 = arith.muli %scan3A_256, %mul3A_257 : i32
          %add3A_259 = arith.constant 0 : i32
          %add3A_260 = arith.addi %add3A_259, %mul3A_258 : i32
          %mul3A_261 = arith.constant 16 : i32
          %mul3A_262 = arith.muli %add3A_260, %mul3A_261 : i32
          %get3A_263 = arith.index_cast %add3A_201 : i32 to index
          %get3A_264 = arith.index_cast %mul3A_262 : i32 to index
          %get3A_265 = tpu.vector_load %arg10[%get3A_263, %get3A_264] {strides = array<i32>} : memref<8x1024xf32, #tpu.memory_space<vmem>>, vector<1x16xf32>,
          %get3A_266 = vector.shape_cast %get3A_265 : vector<1x16xf32> to vector<16xf32>
          %swap3A_267 = arith.index_cast %add3A_201 : i32 to index
          %swap3A_268 = arith.index_cast %mul3A_262 : i32 to index
          %swap3A_269 = tpu.vector_load %arg14[%swap3A_267, %swap3A_268] {strides = array<i32>} : memref<8x1024xf32, #tpu.memory_space<vmem>>, vector<1x16xf32>,
          %swap3A_270 = vector.shape_cast %swap3A_269 : vector<1x16xf32> to vector<16xf32>
          %swap3A_271 = vector.shape_cast %get3A_266 : vector<16xf32> to vector<1x16xf32>
          tpu.vector_store %arg14[%swap3A_267, %swap3A_268], %swap3A_271 {add = true, strides = array<i32>} : memref<8x1024xf32, #tpu.memory_space<vmem>>, vector<1x16xf32>,
          %scan3A_272 = arith.constant 4 : i32
          %scan3A_273 = arith.addi %scan3A_207, %scan3A_272 : i32
          %mul3A_274 = arith.constant 1 : i32
          %mul3A_275 = arith.muli %scan3A_273, %mul3A_274 : i32
          %add3A_276 = arith.constant 0 : i32
          %add3A_277 = arith.addi %add3A_276, %mul3A_275 : i32
          %mul3A_278 = arith.constant 16 : i32
          %mul3A_279 = arith.muli %add3A_277, %mul3A_278 : i32
          %get3A_280 = arith.index_cast %add3A_201 : i32 to index
          %get3A_281 = arith.index_cast %mul3A_279 : i32 to index
          %get3A_282 = tpu.vector_load %arg10[%get3A_280, %get3A_281] {strides = array<i32>} : memref<8x1024xf32, #tpu.memory_space<vmem>>, vector<1x16xf32>,
          %get3A_283 = vector.shape_cast %get3A_282 : vector<1x16xf32> to vector<16xf32>
          %swap3A_284 = arith.index_cast %add3A_201 : i32 to index
          %swap3A_285 = arith.index_cast %mul3A_279 : i32 to index
          %swap3A_286 = tpu.vector_load %arg14[%swap3A_284, %swap3A_285] {strides = array<i32>} : memref<8x1024xf32, #tpu.memory_space<vmem>>, vector<1x16xf32>,
          %swap3A_287 = vector.shape_cast %swap3A_286 : vector<1x16xf32> to vector<16xf32>
          %swap3A_288 = vector.shape_cast %get3A_283 : vector<16xf32> to vector<1x16xf32>
          tpu.vector_store %arg14[%swap3A_284, %swap3A_285], %swap3A_288 {add = true, strides = array<i32>} : memref<8x1024xf32, #tpu.memory_space<vmem>>, vector<1x16xf32>,
          %scan3A_289 = arith.constant 5 : i32
          %scan3A_290 = arith.addi %scan3A_207, %scan3A_289 : i32
          %mul3A_291 = arith.constant 1 : i32
          %mul3A_292 = arith.muli %scan3A_290, %mul3A_291 : i32
          %add3A_293 = arith.constant 0 : i32
          %add3A_294 = arith.addi %add3A_293, %mul3A_292 : i32
          %mul3A_295 = arith.constant 16 : i32
          %mul3A_296 = arith.muli %add3A_294, %mul3A_295 : i32
          %get3A_297 = arith.index_cast %add3A_201 : i32 to index
          %get3A_298 = arith.index_cast %mul3A_296 : i32 to index
          %get3A_299 = tpu.vector_load %arg10[%get3A_297, %get3A_298] {strides = array<i32>} : memref<8x1024xf32, #tpu.memory_space<vmem>>, vector<1x16xf32>,
          %get3A_300 = vector.shape_cast %get3A_299 : vector<1x16xf32> to vector<16xf32>
          %swap3A_301 = arith.index_cast %add3A_201 : i32 to index
          %swap3A_302 = arith.index_cast %mul3A_296 : i32 to index
          %swap3A_303 = tpu.vector_load %arg14[%swap3A_301, %swap3A_302] {strides = array<i32>} : memref<8x1024xf32, #tpu.memory_space<vmem>>, vector<1x16xf32>,
          %swap3A_304 = vector.shape_cast %swap3A_303 : vector<1x16xf32> to vector<16xf32>
          %swap3A_305 = vector.shape_cast %get3A_300 : vector<16xf32> to vector<1x16xf32>
          tpu.vector_store %arg14[%swap3A_301, %swap3A_302], %swap3A_305 {add = true, strides = array<i32>} : memref<8x1024xf32, #tpu.memory_space<vmem>>, vector<1x16xf32>,
          %scan3A_306 = arith.constant 6 : i32
          %scan3A_307 = arith.addi %scan3A_207, %scan3A_306 : i32
          %mul3A_308 = arith.constant 1 : i32
          %mul3A_309 = arith.muli %scan3A_307, %mul3A_308 : i32
          %add3A_310 = arith.constant 0 : i32
          %add3A_311 = arith.addi %add3A_310, %mul3A_309 : i32
          %mul3A_312 = arith.constant 16 : i32
          %mul3A_313 = arith.muli %add3A_311, %mul3A_312 : i32
          %get3A_314 = arith.index_cast %add3A_201 : i32 to index
          %get3A_315 = arith.index_cast %mul3A_313 : i32 to index
          %get3A_316 = tpu.vector_load %arg10[%get3A_314, %get3A_315] {strides = array<i32>} : memref<8x1024xf32, #tpu.memory_space<vmem>>, vector<1x16xf32>,
          %get3A_317 = vector.shape_cast %get3A_316 : vector<1x16xf32> to vector<16xf32>
          %swap3A_318 = arith.index_cast %add3A_201 : i32 to index
          %swap3A_319 = arith.index_cast %mul3A_313 : i32 to index
          %swap3A_320 = tpu.vector_load %arg14[%swap3A_318, %swap3A_319] {strides = array<i32>} : memref<8x1024xf32, #tpu.memory_space<vmem>>, vector<1x16xf32>,
          %swap3A_321 = vector.shape_cast %swap3A_320 : vector<1x16xf32> to vector<16xf32>
          %swap3A_322 = vector.shape_cast %get3A_317 : vector<16xf32> to vector<1x16xf32>
          tpu.vector_store %arg14[%swap3A_318, %swap3A_319], %swap3A_322 {add = true, strides = array<i32>} : memref<8x1024xf32, #tpu.memory_space<vmem>>, vector<1x16xf32>,
          %scan3A_323 = arith.constant 7 : i32
          %scan3A_324 = arith.addi %scan3A_207, %scan3A_323 : i32
          %mul3A_325 = arith.constant 1 : i32
          %mul3A_326 = arith.muli %scan3A_324, %mul3A_325 : i32
          %add3A_327 = arith.constant 0 : i32
          %add3A_328 = arith.addi %add3A_327, %mul3A_326 : i32
          %mul3A_329 = arith.constant 16 : i32
          %mul3A_330 = arith.muli %add3A_328, %mul3A_329 : i32
          %get3A_331 = arith.index_cast %add3A_201 : i32 to index
          %get3A_332 = arith.index_cast %mul3A_330 : i32 to index
          %get3A_333 = tpu.vector_load %arg10[%get3A_331, %get3A_332] {strides = array<i32>} : memref<8x1024xf32, #tpu.memory_space<vmem>>, vector<1x16xf32>,
          %get3A_334 = vector.shape_cast %get3A_333 : vector<1x16xf32> to vector<16xf32>
          %swap3A_335 = arith.index_cast %add3A_201 : i32 to index
          %swap3A_336 = arith.index_cast %mul3A_330 : i32 to index
          %swap3A_337 = tpu.vector_load %arg14[%swap3A_335, %swap3A_336] {strides = array<i32>} : memref<8x1024xf32, #tpu.memory_space<vmem>>, vector<1x16xf32>,
          %swap3A_338 = vector.shape_cast %swap3A_337 : vector<1x16xf32> to vector<16xf32>
          %swap3A_339 = vector.shape_cast %get3A_334 : vector<16xf32> to vector<1x16xf32>
          tpu.vector_store %arg14[%swap3A_335, %swap3A_336], %swap3A_339 {add = true, strides = array<i32>} : memref<8x1024xf32, #tpu.memory_space<vmem>>, vector<1x16xf32>,
          %scan3A_340 = arith.constant 8 : i32
          %scan3A_341 = arith.addi %scan3A_207, %scan3A_340 : i32
          %mul3A_342 = arith.constant 1 : i32
          %mul3A_343 = arith.muli %scan3A_341, %mul3A_342 : i32
          %add3A_344 = arith.constant 0 : i32
          %add3A_345 = arith.addi %add3A_344, %mul3A_343 : i32
          %mul3A_346 = arith.constant 16 : i32
          %mul3A_347 = arith.muli %add3A_345, %mul3A_346 : i32
          %get3A_348 = arith.index_cast %add3A_201 : i32 to index
          %get3A_349 = arith.index_cast %mul3A_347 : i32 to index
          %get3A_350 = tpu.vector_load %arg10[%get3A_348, %get3A_349] {strides = array<i32>} : memref<8x1024xf32, #tpu.memory_space<vmem>>, vector<1x16xf32>,
          %get3A_351 = vector.shape_cast %get3A_350 : vector<1x16xf32> to vector<16xf32>
          %swap3A_352 = arith.index_cast %add3A_201 : i32 to index
          %swap3A_353 = arith.index_cast %mul3A_347 : i32 to index
          %swap3A_354 = tpu.vector_load %arg14[%swap3A_352, %swap3A_353] {strides = array<i32>} : memref<8x1024xf32, #tpu.memory_space<vmem>>, vector<1x16xf32>,
          %swap3A_355 = vector.shape_cast %swap3A_354 : vector<1x16xf32> to vector<16xf32>
          %swap3A_356 = vector.shape_cast %get3A_351 : vector<16xf32> to vector<1x16xf32>
          tpu.vector_store %arg14[%swap3A_352, %swap3A_353], %swap3A_356 {add = true, strides = array<i32>} : memref<8x1024xf32, #tpu.memory_space<vmem>>, vector<1x16xf32>,
          %scan3A_357 = arith.constant 9 : i32
          %scan3A_358 = arith.addi %scan3A_207, %scan3A_357 : i32
          %mul3A_359 = arith.constant 1 : i32
          %mul3A_360 = arith.muli %scan3A_358, %mul3A_359 : i32
          %add3A_361 = arith.constant 0 : i32
          %add3A_362 = arith.addi %add3A_361, %mul3A_360 : i32
          %mul3A_363 = arith.constant 16 : i32
          %mul3A_364 = arith.muli %add3A_362, %mul3A_363 : i32
          %get3A_365 = arith.index_cast %add3A_201 : i32 to index
          %get3A_366 = arith.index_cast %mul3A_364 : i32 to index
          %get3A_367 = tpu.vector_load %arg10[%get3A_365, %get3A_366] {strides = array<i32>} : memref<8x1024xf32, #tpu.memory_space<vmem>>, vector<1x16xf32>,
          %get3A_368 = vector.shape_cast %get3A_367 : vector<1x16xf32> to vector<16xf32>
          %swap3A_369 = arith.index_cast %add3A_201 : i32 to index
          %swap3A_370 = arith.index_cast %mul3A_364 : i32 to index
          %swap3A_371 = tpu.vector_load %arg14[%swap3A_369, %swap3A_370] {strides = array<i32>} : memref<8x1024xf32, #tpu.memory_space<vmem>>, vector<1x16xf32>,
          %swap3A_372 = vector.shape_cast %swap3A_371 : vector<1x16xf32> to vector<16xf32>
          %swap3A_373 = vector.shape_cast %get3A_368 : vector<16xf32> to vector<1x16xf32>
          tpu.vector_store %arg14[%swap3A_369, %swap3A_370], %swap3A_373 {add = true, strides = array<i32>} : memref<8x1024xf32, #tpu.memory_space<vmem>>, vector<1x16xf32>,
          %scan3A_374 = arith.constant 10 : i32
          %scan3A_375 = arith.addi %scan3A_207, %scan3A_374 : i32
          %mul3A_376 = arith.constant 1 : i32
          %mul3A_377 = arith.muli %scan3A_375, %mul3A_376 : i32
          %add3A_378 = arith.constant 0 : i32
          %add3A_379 = arith.addi %add3A_378, %mul3A_377 : i32
          %mul3A_380 = arith.constant 16 : i32
          %mul3A_381 = arith.muli %add3A_379, %mul3A_380 : i32
          %get3A_382 = arith.index_cast %add3A_201 : i32 to index
          %get3A_383 = arith.index_cast %mul3A_381 : i32 to index
          %get3A_384 = tpu.vector_load %arg10[%get3A_382, %get3A_383] {strides = array<i32>} : memref<8x1024xf32, #tpu.memory_space<vmem>>, vector<1x16xf32>,
          %get3A_385 = vector.shape_cast %get3A_384 : vector<1x16xf32> to vector<16xf32>
          %swap3A_386 = arith.index_cast %add3A_201 : i32 to index
          %swap3A_387 = arith.index_cast %mul3A_381 : i32 to index
          %swap3A_388 = tpu.vector_load %arg14[%swap3A_386, %swap3A_387] {strides = array<i32>} : memref<8x1024xf32, #tpu.memory_space<vmem>>, vector<1x16xf32>,
          %swap3A_389 = vector.shape_cast %swap3A_388 : vector<1x16xf32> to vector<16xf32>
          %swap3A_390 = vector.shape_cast %get3A_385 : vector<16xf32> to vector<1x16xf32>
          tpu.vector_store %arg14[%swap3A_386, %swap3A_387], %swap3A_390 {add = true, strides = array<i32>} : memref<8x1024xf32, #tpu.memory_space<vmem>>, vector<1x16xf32>,
          %scan3A_391 = arith.constant 11 : i32
          %scan3A_392 = arith.addi %scan3A_207, %scan3A_391 : i32
          %mul3A_393 = arith.constant 1 : i32
          %mul3A_394 = arith.muli %scan3A_392, %mul3A_393 : i32
          %add3A_395 = arith.constant 0 : i32
          %add3A_396 = arith.addi %add3A_395, %mul3A_394 : i32
          %mul3A_397 = arith.constant 16 : i32
          %mul3A_398 = arith.muli %add3A_396, %mul3A_397 : i32
          %get3A_399 = arith.index_cast %add3A_201 : i32 to index
          %get3A_400 = arith.index_cast %mul3A_398 : i32 to index
          %get3A_401 = tpu.vector_load %arg10[%get3A_399, %get3A_400] {strides = array<i32>} : memref<8x1024xf32, #tpu.memory_space<vmem>>, vector<1x16xf32>,
          %get3A_402 = vector.shape_cast %get3A_401 : vector<1x16xf32> to vector<16xf32>
          %swap3A_403 = arith.index_cast %add3A_201 : i32 to index
          %swap3A_404 = arith.index_cast %mul3A_398 : i32 to index
          %swap3A_405 = tpu.vector_load %arg14[%swap3A_403, %swap3A_404] {strides = array<i32>} : memref<8x1024xf32, #tpu.memory_space<vmem>>, vector<1x16xf32>,
          %swap3A_406 = vector.shape_cast %swap3A_405 : vector<1x16xf32> to vector<16xf32>
          %swap3A_407 = vector.shape_cast %get3A_402 : vector<16xf32> to vector<1x16xf32>
          tpu.vector_store %arg14[%swap3A_403, %swap3A_404], %swap3A_407 {add = true, strides = array<i32>} : memref<8x1024xf32, #tpu.memory_space<vmem>>, vector<1x16xf32>,
          %scan3A_408 = arith.constant 12 : i32
          %scan3A_409 = arith.addi %scan3A_207, %scan3A_408 : i32
          %mul3A_410 = arith.constant 1 : i32
          %mul3A_411 = arith.muli %scan3A_409, %mul3A_410 : i32
          %add3A_412 = arith.constant 0 : i32
          %add3A_413 = arith.addi %add3A_412, %mul3A_411 : i32
          %mul3A_414 = arith.constant 16 : i32
          %mul3A_415 = arith.muli %add3A_413, %mul3A_414 : i32
          %get3A_416 = arith.index_cast %add3A_201 : i32 to index
          %get3A_417 = arith.index_cast %mul3A_415 : i32 to index
          %get3A_418 = tpu.vector_load %arg10[%get3A_416, %get3A_417] {strides = array<i32>} : memref<8x1024xf32, #tpu.memory_space<vmem>>, vector<1x16xf32>,
          %get3A_419 = vector.shape_cast %get3A_418 : vector<1x16xf32> to vector<16xf32>
          %swap3A_420 = arith.index_cast %add3A_201 : i32 to index
          %swap3A_421 = arith.index_cast %mul3A_415 : i32 to index
          %swap3A_422 = tpu.vector_load %arg14[%swap3A_420, %swap3A_421] {strides = array<i32>} : memref<8x1024xf32, #tpu.memory_space<vmem>>, vector<1x16xf32>,
          %swap3A_423 = vector.shape_cast %swap3A_422 : vector<1x16xf32> to vector<16xf32>
          %swap3A_424 = vector.shape_cast %get3A_419 : vector<16xf32> to vector<1x16xf32>
          tpu.vector_store %arg14[%swap3A_420, %swap3A_421], %swap3A_424 {add = true, strides = array<i32>} : memref<8x1024xf32, #tpu.memory_space<vmem>>, vector<1x16xf32>,
          %scan3A_425 = arith.constant 13 : i32
          %scan3A_426 = arith.addi %scan3A_207, %scan3A_425 : i32
          %mul3A_427 = arith.constant 1 : i32
          %mul3A_428 = arith.muli %scan3A_426, %mul3A_427 : i32
          %add3A_429 = arith.constant 0 : i32
          %add3A_430 = arith.addi %add3A_429, %mul3A_428 : i32
          %mul3A_431 = arith.constant 16 : i32
          %mul3A_432 = arith.muli %add3A_430, %mul3A_431 : i32
          %get3A_433 = arith.index_cast %add3A_201 : i32 to index
          %get3A_434 = arith.index_cast %mul3A_432 : i32 to index
          %get3A_435 = tpu.vector_load %arg10[%get3A_433, %get3A_434] {strides = array<i32>} : memref<8x1024xf32, #tpu.memory_space<vmem>>, vector<1x16xf32>,
          %get3A_436 = vector.shape_cast %get3A_435 : vector<1x16xf32> to vector<16xf32>
          %swap3A_437 = arith.index_cast %add3A_201 : i32 to index
          %swap3A_438 = arith.index_cast %mul3A_432 : i32 to index
          %swap3A_439 = tpu.vector_load %arg14[%swap3A_437, %swap3A_438] {strides = array<i32>} : memref<8x1024xf32, #tpu.memory_space<vmem>>, vector<1x16xf32>,
          %swap3A_440 = vector.shape_cast %swap3A_439 : vector<1x16xf32> to vector<16xf32>
          %swap3A_441 = vector.shape_cast %get3A_436 : vector<16xf32> to vector<1x16xf32>
          tpu.vector_store %arg14[%swap3A_437, %swap3A_438], %swap3A_441 {add = true, strides = array<i32>} : memref<8x1024xf32, #tpu.memory_space<vmem>>, vector<1x16xf32>,
          %scan3A_442 = arith.constant 14 : i32
          %scan3A_443 = arith.addi %scan3A_207, %scan3A_442 : i32
          %mul3A_444 = arith.constant 1 : i32
          %mul3A_445 = arith.muli %scan3A_443, %mul3A_444 : i32
          %add3A_446 = arith.constant 0 : i32
          %add3A_447 = arith.addi %add3A_446, %mul3A_445 : i32
          %mul3A_448 = arith.constant 16 : i32
          %mul3A_449 = arith.muli %add3A_447, %mul3A_448 : i32
          %get3A_450 = arith.index_cast %add3A_201 : i32 to index
          %get3A_451 = arith.index_cast %mul3A_449 : i32 to index
          %get3A_452 = tpu.vector_load %arg10[%get3A_450, %get3A_451] {strides = array<i32>} : memref<8x1024xf32, #tpu.memory_space<vmem>>, vector<1x16xf32>,
          %get3A_453 = vector.shape_cast %get3A_452 : vector<1x16xf32> to vector<16xf32>
          %swap3A_454 = arith.index_cast %add3A_201 : i32 to index
          %swap3A_455 = arith.index_cast %mul3A_449 : i32 to index
          %swap3A_456 = tpu.vector_load %arg14[%swap3A_454, %swap3A_455] {strides = array<i32>} : memref<8x1024xf32, #tpu.memory_space<vmem>>, vector<1x16xf32>,
          %swap3A_457 = vector.shape_cast %swap3A_456 : vector<1x16xf32> to vector<16xf32>
          %swap3A_458 = vector.shape_cast %get3A_453 : vector<16xf32> to vector<1x16xf32>
          tpu.vector_store %arg14[%swap3A_454, %swap3A_455], %swap3A_458 {add = true, strides = array<i32>} : memref<8x1024xf32, #tpu.memory_space<vmem>>, vector<1x16xf32>,
          %scan3A_459 = arith.constant 15 : i32
          %scan3A_460 = arith.addi %scan3A_207, %scan3A_459 : i32
          %mul3A_461 = arith.constant 1 : i32
          %mul3A_462 = arith.muli %scan3A_460, %mul3A_461 : i32
          %add3A_463 = arith.constant 0 : i32
          %add3A_464 = arith.addi %add3A_463, %mul3A_462 : i32
          %mul3A_465 = arith.constant 16 : i32
          %mul3A_466 = arith.muli %add3A_464, %mul3A_465 : i32
          %get3A_467 = arith.index_cast %add3A_201 : i32 to index
          %get3A_468 = arith.index_cast %mul3A_466 : i32 to index
          %get3A_469 = tpu.vector_load %arg10[%get3A_467, %get3A_468] {strides = array<i32>} : memref<8x1024xf32, #tpu.memory_space<vmem>>, vector<1x16xf32>,
          %get3A_470 = vector.shape_cast %get3A_469 : vector<1x16xf32> to vector<16xf32>
          %swap3A_471 = arith.index_cast %add3A_201 : i32 to index
          %swap3A_472 = arith.index_cast %mul3A_466 : i32 to index
          %swap3A_473 = tpu.vector_load %arg14[%swap3A_471, %swap3A_472] {strides = array<i32>} : memref<8x1024xf32, #tpu.memory_space<vmem>>, vector<1x16xf32>,
          %swap3A_474 = vector.shape_cast %swap3A_473 : vector<1x16xf32> to vector<16xf32>
          %swap3A_475 = vector.shape_cast %get3A_470 : vector<16xf32> to vector<1x16xf32>
          tpu.vector_store %arg14[%swap3A_471, %swap3A_472], %swap3A_475 {add = true, strides = array<i32>} : memref<8x1024xf32, #tpu.memory_space<vmem>>, vector<1x16xf32>,
        }
        %scan3A_206 = arith.constant 64 : i32
      }
      %scan3A_189 = arith.constant 8 : i32
      %mul3A_190 = arith.constant 8 : i32
      %mul3A_191 = arith.muli %add3A_166, %mul3A_190 : i32
      %add3A_192 = arith.addi %mul3A_2, %mul3A_191 : i32
      %dma_start3A_193 = arith.constant 0 : i32
      %dma_start3A_194 = tpu.memref_slice %arg5[%add3A_192, %dma_start3A_193] : memref<16384x1024xf32, #tpu.memory_space<hbm>> -> memref<8x1024xf32, #tpu.memory_space<hbm>>
      %dma_start3A_195 = arith.constant 0 : i32
      %dma_start3A_196 = tpu.memref_slice %arg5[%add3A_192, %dma_start3A_195] : memref<16384x1024xf32, #tpu.memory_space<hbm>> -> memref<8x1024xf32, #tpu.memory_space<hbm>>
      tpu.enqueue_dma source(%arg14 : memref<8x1024xf32, #tpu.memory_space<vmem>>) target(%dma_start3A_196 : memref<8x1024xf32, #tpu.memory_space<hbm>>) target_semaphore(%arg22 : memref<!tpu.dma_semaphore, #tpu.memory_space<semaphore_mem>>)
    }
    %scan3A_52 = arith.constant 16 : i32
    %dma_wait3A_53 = arith.constant 0 : i32
    %dma_wait3A_54 = tpu.memref_slice %arg2[%mul3A_2, %dma_wait3A_53] : memref<16384x1024xf32, #tpu.memory_space<hbm>> -> memref<8x1024xf32, #tpu.memory_space<hbm>>
    %dma_wait3A_55 = arith.constant 0 : i32
    %dma_wait3A_56 = tpu.memref_slice %arg2[%mul3A_2, %dma_wait3A_55] : memref<16384x1024xf32, #tpu.memory_space<hbm>> -> memref<8x1024xf32, #tpu.memory_space<hbm>>
    tpu.wait_dma2 semaphore(%arg19 : memref<!tpu.dma_semaphore, #tpu.memory_space<semaphore_mem>>) src(%dma_wait3A_56 : memref<8x1024xf32, #tpu.memory_space<hbm>>) dst(%arg11 : memref<8x1024xf32, #tpu.memory_space<vmem>>)
    %dma_wait3A_57 = arith.constant 0 : i32
    %dma_wait3A_58 = tpu.memref_slice %arg2[%mul3A_2, %dma_wait3A_57] : memref<16384x1024xf32, #tpu.memory_space<hbm>> -> memref<8x1024xf32, #tpu.memory_space<hbm>>
    %dma_wait3A_59 = arith.constant 0 : i32
    %dma_wait3A_60 = tpu.memref_slice %arg2[%mul3A_2, %dma_wait3A_59] : memref<16384x1024xf32, #tpu.memory_space<hbm>> -> memref<8x1024xf32, #tpu.memory_space<hbm>>
    tpu.wait_dma2 semaphore(%arg20 : memref<!tpu.dma_semaphore, #tpu.memory_space<semaphore_mem>>) src(%dma_wait3A_60 : memref<8x1024xf32, #tpu.memory_space<hbm>>) dst(%arg12 : memref<8x1024xf32, #tpu.memory_space<vmem>>)
    %dma_wait3A_61 = arith.constant 0 : i32
    %dma_wait3A_62 = tpu.memref_slice %arg2[%mul3A_2, %dma_wait3A_61] : memref<16384x1024xf32, #tpu.memory_space<hbm>> -> memref<8x1024xf32, #tpu.memory_space<hbm>>
    %dma_wait3A_63 = arith.constant 0 : i32
    %dma_wait3A_64 = tpu.memref_slice %arg2[%mul3A_2, %dma_wait3A_63] : memref<16384x1024xf32, #tpu.memory_space<hbm>> -> memref<8x1024xf32, #tpu.memory_space<hbm>>
    tpu.wait_dma2 semaphore(%arg21 : memref<!tpu.dma_semaphore, #tpu.memory_space<semaphore_mem>>) src(%dma_wait3A_64 : memref<8x1024xf32, #tpu.memory_space<hbm>>) dst(%arg13 : memref<8x1024xf32, #tpu.memory_space<vmem>>)
    %dma_wait3A_65 = arith.constant 0 : i32
    %dma_wait3A_66 = tpu.memref_slice %arg2[%mul3A_2, %dma_wait3A_65] : memref<16384x1024xf32, #tpu.memory_space<hbm>> -> memref<8x1024xf32, #tpu.memory_space<hbm>>
    %dma_wait3A_67 = arith.constant 0 : i32
    %dma_wait3A_68 = tpu.memref_slice %arg2[%mul3A_2, %dma_wait3A_67] : memref<16384x1024xf32, #tpu.memory_space<hbm>> -> memref<8x1024xf32, #tpu.memory_space<hbm>>
    tpu.wait_dma2 semaphore(%arg22 : memref<!tpu.dma_semaphore, #tpu.memory_space<semaphore_mem>>) src(%dma_wait3A_68 : memref<8x1024xf32, #tpu.memory_space<hbm>>) dst(%arg14 : memref<8x1024xf32, #tpu.memory_space<vmem>>)
    return
  }
}

</mosaic_0001>

<sc_bundles>
// kernel: run.3.cloned.1.call-start
scs
__scs_entry_jumppad:
0x0: {  	(pc) =	sbr.rel $0x88, $3  }
0x1: {  	(tag) =	ssettag $0x0;
	lr =	simm.s32 $0x1  }
0x2: {  	[smem:$0x3F9E] =	sst lr;
	_ =	strace $0xD0000000  }
0x3: {  	_ = 	snop  }
0x4: {  	_ = 	snop  }
0x5: {  	_ = 	snop  }
0x6: {  	_ = 	snop  }
0x7: {  	_ = 	snop  }
__scs_overlays_trampoline_lowered:
0x8: {  	[smem:$0x3FAD] =	sst s0  }
0x9: {  	[smem:$0x3FAE] =	sst s1  }
0xa: {  	[smem:$0x3FAF] =	sst s2  }
0xb: {  	[smem:$0x3FB0] =	sst s3  }
0xc: {  	[smem:$0x3FB1] =	sst s4  }
0xd: {  	[smem:$0x3FB2] =	sst s5  }
0xe: {  	[smem:$0x3FB3] =	sst s6  }
0xf: {  	[smem:$0x3FB4] =	sst s7  }
0x10: {  	[smem:$0x3FB5] =	sst s8  }
0x11: {  	[smem:$0x3FB6] =	sst s9;
	s0 =	simm.s32 @!p0 $0x0  }
0x12: {  	s1 =	sld [smem:$0x3F9C];
	s0 =	simm.s32 @p0 $0x1  }
0x13: {  	[smem:$0x3FB7] =	sst s0;
	s0 =	simm.s32 @!p1 $0x0  }
0x14: {  	s2 =	sld [smem:$0x3F9B];
	s0 =	simm.s32 @p1 $0x1  }
0x15: {  	[smem:$0x3FB8] =	sst s0;
	s0 =	simm.s32 @!p2 $0x0  }
0x16: {  	s3 =	sld [smem:$0x3FDB];
	s0 =	simm.s32 @p2 $0x1  }
0x17: {  	s4 =	simm.s32 $0x1BF5;
	[smem:$0x3FBA] =	sst s0  }
0x18: {  	s0 =	sld [smem:$0x3F9D];
	_ =	swait.ge [sflag:s4], $0x0  }
0x19: {  	s7 =	sld [smem:$0x3F9E]  }
0x1a: {  	s8 =	sadd.s32 $0xFFFFE003, lr  }
0x1b: {  	s9 =	sadd.s32 $0xFFFFFEF7, lr;
	s5 =	simm.s32 $0xFFFFFFFF;
	p2 =	slt.u32 s8, $0xFFFFF086  }
0x1c: {  	p1 =	slt.u32 s9, $0xF7A;
	s5 =	simm.s32 @!p2 $0x0  }
0x1d: {  	s5 =	simm.s32 @p1 $0x1;
	p0 =	seq.s32 s7, s2  }
0x1e: {  	s7 =	smul.u32 @!p0 $0xF7A, s2;
	p2 =	seq.s32 @!p0 s5, $0x0  }
0x1f: {  	s9 =	smul.u32 $0xF7A, s1;
	s8 =	simm.s32 @!p0 $0x1BF5;
	p2 =	por !p2, p0  }
0x20: {  	[sflag:s8] =	ssyncset.s32 @!p0 $0xFFFFF086;
	s6 =	sadd.s32 @!p0 s3, s7;
	s7 =	simm.s32 @!p0 $0x108  }
0x21: {  	s3 =	sadd.s32 s3, s9;
	s6 =	sadd.s32 @!p0 $0x88, s6;
	s7 =	simm.s32 @p2 $0x1082  }
0x22: {  	[simem:s7], [sflag:s8] =	dma.local @!p0 [hbm:s6], $0xF7A  }
0x23: {  	s9 =	sor.u32 $0xD0000000, s2;
	s6 =	simm.s32 $0x108;
	_ =	swait.ge @!p0 [sflag:s8], $0x0  }
0x24: {  	s3 =	sadd.s32 $0x88, s3;
	s6 =	simm.s32 @!p1 $0x1082;
	[sflag:s4] =	ssyncset.s32 $0xFFFFF086  }
0x25: {  	[simem:s6], [sflag:s4] =	dma.local [hbm:s3], $0xF7A  }
0x26: {  	[smem:$0x3F9E] =	sst s1;
	(tag) =	ssettag s2;
	_ =	strace s9  }
0x27: {  	s1 =	sld [smem:$0x3FAE]  }
0x28: {  	s2 =	sld [smem:$0x3FAF]  }
0x29: {  	s4 =	sld [smem:$0x3FB1]  }
0x2a: {  	p0 =	seq.s32 s5, $0x0;
	s5 =	sld [smem:$0x3FB2]  }
0x2b: {  	s6 =	sld [smem:$0x3FB3]  }
0x2c: {  	s7 =	sld [smem:$0x3FB4]  }
0x2d: {  	s3 =	simm.s32 $0x108;
	s8 =	sld [smem:$0x3FB5]  }
0x2e: {  	s3 =	simm.s32 @!p0 $0x1082;
	s9 =	sld [smem:$0x3FB6]  }
0x2f: {  	lr =	sadd.s32 s0, s3;
	s0 =	sld [smem:$0x3FAD]  }
0x30: {  	s3 =	sld [smem:$0x3FB0]  }
0x31: {  	[smem:$0x3FB9] =	sst s10  }
0x32: {  	s10 =	sld [smem:$0x3FB7];
	_ =	sdelay $0x3  }
0x33: {  	p0 =	seq.s32 s10, $0x1;
	s10 =	sld [smem:$0x3FB9];
	_ =	sdelay $0x3  }
0x34: {  	[smem:$0x3FB9] =	sst s10  }
0x35: {  	s10 =	sld [smem:$0x3FB8];
	_ =	sdelay $0x3  }
0x36: {  	p1 =	seq.s32 s10, $0x1;
	s10 =	sld [smem:$0x3FB9];
	_ =	sdelay $0x3  }
0x37: {  	[smem:$0x3FB9] =	sst s10  }
0x38: {  	s10 =	sld [smem:$0x3FBA]  }
0x39: {  	_ = 	snop;
	(pc) =	sbr.ind lr, $3  }
0x3a: {  	_ = 	snop  }
0x3b: {  	_ = 	snop  }
0x3c: {  	p2 =	seq.s32 s10, $0x1;
	s10 =	sld [smem:$0x3FB9]  }
0x3d: {  	_ =	shalt  }
0x3e: {  	_ =	shalt  }
0x3f: {  	_ =	shalt  }
0x40: {  	_ =	shalt  }
0x41: {  	_ =	shalt  }
0x42: {  	_ =	shalt  }
0x43: {  	_ =	shalt  }
0x44: {  	_ =	shalt  }
0x45: {  	_ =	shalt  }
0x46: {  	_ =	shalt  }
0x47: {  	_ =	shalt  }
0x48: {  	_ =	shalt  }
0x49: {  	_ =	shalt  }
0x4a: {  	_ =	shalt  }
0x4b: {  	_ =	shalt  }
0x4c: {  	_ =	shalt  }
0x4d: {  	_ =	shalt  }
0x4e: {  	_ =	shalt  }
0x4f: {  	_ =	shalt  }
0x50: {  	_ =	shalt  }
0x51: {  	_ =	shalt  }
0x52: {  	_ =	shalt  }
0x53: {  	_ =	shalt  }
0x54: {  	_ =	shalt  }
0x55: {  	_ =	shalt  }
0x56: {  	_ =	shalt  }
0x57: {  	_ =	shalt  }
0x58: {  	_ =	shalt  }
0x59: {  	_ =	shalt  }
0x5a: {  	_ =	shalt  }
0x5b: {  	_ =	shalt  }
0x5c: {  	_ =	shalt  }
0x5d: {  	_ =	shalt  }
0x5e: {  	_ =	shalt  }
0x5f: {  	_ =	shalt  }
0x60: {  	_ =	shalt  }
0x61: {  	_ =	shalt  }
0x62: {  	_ =	shalt  }
0x63: {  	_ =	shalt  }
0x64: {  	_ =	shalt  }
0x65: {  	_ =	shalt  }
0x66: {  	_ =	shalt  }
0x67: {  	_ =	shalt  }
0x68: {  	_ =	shalt  }
0x69: {  	_ =	shalt  }
0x6a: {  	_ =	shalt  }
0x6b: {  	_ =	shalt  }
0x6c: {  	_ =	shalt  }
0x6d: {  	_ =	shalt  }
0x6e: {  	_ =	shalt  }
0x6f: {  	_ =	shalt  }
0x70: {  	_ =	shalt  }
0x71: {  	_ =	shalt  }
0x72: {  	_ =	shalt  }
0x73: {  	_ =	shalt  }
0x74: {  	_ =	shalt  }
0x75: {  	_ =	shalt  }
0x76: {  	_ =	shalt  }
0x77: {  	_ =	shalt  }
0x78: {  	_ =	shalt  }
0x79: {  	_ =	shalt  }
0x7a: {  	_ =	shalt  }
0x7b: {  	_ =	shalt  }
0x7c: {  	_ =	shalt  }
0x7d: {  	_ =	shalt  }
0x7e: {  	_ =	shalt  }
0x7f: {  	_ =	shalt  }
0x80: {  	_ =	shalt  }
0x81: {  	_ =	shalt  }
0x82: {  	_ =	shalt  }
0x83: {  	_ =	shalt  }
0x84: {  	_ =	shalt  }
0x85: {  	_ =	shalt  }
0x86: {  	_ =	shalt  }
0x87: {  	_ =	shalt  }
.Lfunc_end0:
.L_simem_size_0:
called_computation_lowered:
.L_overlay_start_0:
0x88: {  	s2 =	sld [smem:$0x3FD9]  }
0x89: {  	s3 =	sld [smem:$0x3FFE];
	_ =	sdelay $0x1  }
0x8a: {  	s1 =	srdreg.scid  }
0x8b: {  	s0 =	sand.u32 $0x1, s1  }
0x8c: {  	s18 =	sshll.u32 s0, $0xA;
	s2 =	sadd.s32 s3, s2  }
0x8d: {  	s2 =	sadd.s32 s2, s18  }
0x8e: {  	[smem:$0x3FC5] =	sst s2  }
0x8f: {  	_ = 	snop  }
0x90: {  	s2 =	sld [smem:$0x3FC9]  }
0x91: {  	s19 =	sld [smem:$0x3FC8]  }
0x92: {  	s4 =	sld [smem:$0x3FC7]  }
0x93: {  	s5 =	sld [smem:$0x3FD0];
	(tm) =	ssettm $0x1  }
0x94: {  	s6 =	sld [smem:$0x3FFB];
	_ =	sdelay $0x3  }
0x95: {  	_ =	strace s6  }
0x96: {  	s6 =	sld [smem:$0x3FFC];
	_ =	sdelay $0x3  }
0x97: {  	_ =	strace s6  }
0x98: {  	s6 =	sld [smem:$0x3FFD];
	_ =	sdelay $0x3  }
0x99: {  	_ =	strace s6  }
0x9a: {  	_ =	strace $0x8FFFFFFF  }
0x9b: {  	s20 =	sld [smem:$0x3FDB];
	_ =	sdelay $0x1  }
0x9c: {  	s7 =	simm.s32 $_scs_section_size  }
0x9d: {  	s8 =	simm.s32 $_size__tile_overlayer_lowered;
	s9 =	simm.s32 $_tile_overlayer_lowered  }
0x9e: {  	s23 =	simm.s32 $0x1BFF;
	s22 =	sshll.u32 s9, $0x1;
	s6 =	sadd.s32 s7, s20  }
0x9f: {  	s10 =	simm.s32 $0x0;
	s21 =	sshll.u32 s8, $0x1;
	s8 =	sadd.s32 s22, s6  }
0xa0: {  	[timem:s10], [sflag:s23] =	dma.local [hbm:s8], s21  }
0xa1: {  	_ =	swait.ge [sflag:s23], s21  }
0xa2: {  	s7 =	ssub.s32 $0x0, s21;
	[sflag:s23] =	ssyncset.done $0x0  }
0xa3: {  	[sflag:s23] =	ssyncadd.s32 s7;
	_ =	sdelay $0x1  }
0xa4: {  	s24 =	simm.s32 $0x1B8B  }
0xa5: {  	_ =	swait.ge [sflag:s24], $0x1  }
0xa6: {  	[sflag:s24] =	ssyncset.done $0x0  }
0xa7: {  	s25 =	simm.s32 $0x1B8E;
	[sflag:s24] =	ssyncadd.s32 $0xFFFFFFFF  }
0xa8: {  	s26 =	simm.s32 $execute0_lowered;
	[smem:$0x3FD2] =	sst s25  }
0xa9: {  	s7 =	sshll.u32 s26, $0x1;
	_ =	strace $0x80000046;
	[dreg:$0x1] =	wrdreg $0xFFFFFFFF  }
0xaa: {  	s28 =	simm.s32 $_size_execute0_lowered;
	s6 =	sadd.s32 s6, s7;
	[dreg:$0x0] =	wrdreg $0x0  }
0xab: {  	s7 =	sshll.u32 s28, $0x1;
	[dreg:$0x2] =	wrdreg s6  }
0xac: {  	[dreg:$0x3] =	wrdreg s7  }
0xad: {  	[dreg:$0x4] =	wrdreg $0xC0  }
0xae: {  	_ =	task [dreg:s10], $0x5FFFF  }
0xaf: {  	[dreg:$0x1] =	wrdreg $0xFFFFFFFF  }
0xb0: {  	[dreg:$0x0] =	wrdreg $0x60  }
0xb1: {  	[dreg:$0x2] =	wrdreg s2  }
0xb2: {  	[dreg:$0x3] =	wrdreg s19  }
0xb3: {  	[dreg:$0x4] =	wrdreg s4  }
0xb4: {  	[dreg:$0x5] =	wrdreg s5  }
0xb5: {  	[dreg:$0x6] =	wrdreg $0x9  }
0xb6: {  	_ =	task.clear_ibuf [dreg:s10], $0x7FFFF;
	_ =	strace $0x90000046  }
0xb7: {  	s29 =	simm.s32 $0x9;
	_ =	strace $0x80000048  }
0xb8: {  	_ =	swait.ge [sflag:s29], $0x1  }
0xb9: {  	[sflag:s29] =	ssyncadd.s32 $0xFFFFFFFF  }
0xba: {  	_ =	strace $0x90000048  }
0xbb: {  	_ =	sfence  }
0xbc: {  	s30 =	sld [smem:$0x0];
	_ =	sdelay $0x2  }
0xbd: {  	s31 =	sshll.u32 s1, $0xD;
	s1 =	sshrl.u32 s1, $0x2  }
0xbe: {  	s3 =	sand.u32 $0x4000, s31;
	s1 =	sadd.s32 s1, s30  }
0xbf: {  	s0 =	sor.u32 s3, s0;
	s1 =	sshll.u32 s1, $0x11  }
0xc0: {  	s0 =	sor.u32 s1, s0  }
0xc1: {  	s0 =	sadd.s32 $0x8F2B, s0  }
0xc2: {  	[sflag:s0] =	ssyncadd.remote.s32 $0x1  }
0xc3: {  	_ =	sfence.sel $0xFFFF  }
0xc4: {  	[dreg:$0x0] =	wrdreg $0xFFFFFFFF;
	(pc) =	sbr.abs _section_cstart, $3  }
0xc5: {  	[dreg:$0x1] =	wrdreg $0xFFFFFFFF  }
0xc6: {  	_ =	task.clear_ibuf [dreg:s10], $0x2FFFF;
	_ =	strace $0x9FFFFFFF  }
0xc7: {  	(tm) =	ssettm $0x7FFFFFFF  }
tec
execute0_lowered:
.L_overlay_start_1:
0x0: {  	(tag) =	ssettag $0x1  }
0x1: {  	s1 =	rddreg [dreg:$0x0]  }
0x2: {  	s0 =	rddreg [dreg:$0x1]  }
0x3: {  	s3 =	rddreg [dreg:$0x2]  }
0x4: {  	s4 =	rddreg [dreg:$0x3]  }
0x5: {  	s2 =	srdreg.scid;
	s6 =	stileid.u32;
	s5 =	simm.s32 $0x0  }
0x6: {  	s18 =	simm.s32 $0x8200;
	s19 =	simm.s32 $0xA200;
	s20 =	simm.s32 $0xC200  }
0x7: {  	s21 =	simm.s32 $0xE200;
	s30 =	simm.s32 $0x1;
	s2 =	sand.u32 $0x1, s2  }
0x8: {  	s31 =	simm.s32 $0x2;
	s6 =	sshll.u32 s6, $0xA;
	s7 =	sshll.u32 s2, $0x9  }
0x9: {  	s28 =	simm.s32 $0x0;
	[smem:$0x7FF] =	sst s5;
	s6 =	sor.u32 s7, s6  }
0xa: {  	s2 =	ssub.s32 $0x2, s2;
	_ =	strace $0x80000047;
	s7 =	sshrl.u32 s6, $0x3  }
0xb: {  	s23 =	sshrl.u32 s2, $0x1;
	s8 =	sshll.u32 s6, $0x7;
	s0 =	sadd.s32 s0, s7  }
0xc: {  	s2 =	ssub.s32 s2, s23;
	s9 =	sadd.s32 s1, s8;
	[dreg:$0x6] =	wrdreg s0  }
0xd: {  	s13 =	sadd.s32 $0x100, s3;
	s29 =	smax.u32 s2, $0x1;
	[dreg:$0x5] =	wrdreg s9  }
0xe: {  	s14 =	sadd.s32 $0x200, s3;
	s24 =	sadd.s32 $0x400, s9;
	[dreg:$0xa] =	wrdreg s29  }
0xf: {  	s15 =	sadd.s32 $0x300, s3;
	s25 =	sadd.s32 $0x800, s9;
	[dreg:$0x7] =	wrdreg s24  }
0x10: {  	v0 =	vlaneseq.u32;
	s16 =	sadd.s32 s4, s8;
	s26 =	sadd.s32 $0xC00, s9;
	[dreg:$0x8] =	wrdreg s25  }
0x11: {  	v1 =	vshrl.u32 v0, $0x3;
	s2 =	simm.s32 $0x4;
	s0 =	simm.s32 $0x3;
	[dreg:$0x9] =	wrdreg s26  }
0x12: {  	vm0 =	vmmov $0xffff;
	v0 =	vand.u32 $0x7, v0;
	v1 =	vmul.u32 $0x8, v1;
	s24 =	simm.s32 $0x6;
	s25 =	simm.s32 $0x7;
	s26 =	simm.s32 $0x8  }
.LBB2_1:
0x13: {  	s8 =	rddreg [dreg:$0x6]  }
0x14: {  	[tilespmem:s5], [sflag:$0x9] =	stream.linear.gather [hbm4b:s8+s5], $0x200, $0x38;
	[tilespmem:$0x10200] =	vst v63  }
0x15: {  	s9 =	rddreg [dreg:$0x5]  }
0x16: {  	[tilespmem:s18], [sflag:$0x1] =	stream.linear.gather [hbm4b:s9+s5], $0x2000, $0x38;
	[tilespmem:$0x10200] =	vst v63  }
0x17: {  	s10 =	rddreg [dreg:$0x7]  }
0x18: {  	[tilespmem:s19], [sflag:$0x2] =	stream.linear.gather [hbm4b:s10+s5], $0x2000, $0x38;
	[tilespmem:$0x10200] =	vst v63  }
0x19: {  	s11 =	rddreg [dreg:$0x8]  }
0x1a: {  	[tilespmem:s20], [sflag:$0x3] =	stream.linear.gather [hbm4b:s11+s5], $0x2000, $0x38;
	[tilespmem:$0x10200] =	vst v63  }
0x1b: {  	s12 =	rddreg [dreg:$0x9];
	s17 =	simm.s32 $0x9  }
0x1c: {  	[tilespmem:s21], [sflag:$0x4] =	stream.linear.gather [hbm4b:s12+s5], $0x2000, $0x38;
	[tilespmem:$0x10200] =	vst v63  }
0x1d: {  	_ =	swait.ge [sflag:s17], $0x200  }
0x1e: {  	[sflag:s17] =	ssyncset.done $0x0  }
0x1f: {  	[sflag:s17] =	ssyncadd.s32 $0xFFFFFE00  }
0x20: {  	v2 =	vld.msk [tilespmem:$0x0], $0xff;
	_ =	sdelay $0x4  }
0x21: {  	v3 =	vshll.u32 v2, $0x3  }
0x22: {  	v2 =	vand.u32 $0x7, v2;
	v3 =	vand.u32 $0xFFFFFFC0, v3  }
0x23: {  	v2 =	vor.u32 v2, v3  }
0x24: {  	v2 =	vperm.xlane v2, v0;
	_ =	sdelay $0x1  }
0x25: {  	v2 =	vadd.s32 v1, v2;
	_ =	sdelay $0x3  }
0x26: {  	s22 =	simm.s32 $0x200  }
0x27: {  	[tilespmem:s22], [sflag:$0x1] =	stream.indirect_vreg.gather [hbm4b:s3+s5], $0x80, v2, vm0, $0xb8;
	[tilespmem:$0x10200] =	vst v63  }
0x28: {  	s23 =	simm.s32 $0xA00  }
0x29: {  	[tilespmem:s23], [sflag:$0x1] =	stream.indirect_vreg.gather [hbm4b:s13+s5], $0x80, v2, vm0, $0xb8;
	[tilespmem:$0x10200] =	vst v63  }
0x2a: {  	s9 =	simm.s32 $0x1200  }
0x2b: {  	[tilespmem:s9], [sflag:$0x1] =	stream.indirect_vreg.gather [hbm4b:s14+s5], $0x80, v2, vm0, $0xb8;
	[tilespmem:$0x10200] =	vst v63  }
0x2c: {  	s10 =	simm.s32 $0x1A00  }
0x2d: {  	[tilespmem:s10], [sflag:$0x1] =	stream.indirect_vreg.gather [hbm4b:s15+s5], $0x80, v2, vm0, $0xb8;
	[tilespmem:$0x10200] =	vst v63  }
0x2e: {  	v2 =	vld.msk [tilespmem:$0x8], $0xff;
	_ =	sdelay $0x4  }
0x2f: {  	v3 =	vshll.u32 v2, $0x3  }
0x30: {  	v2 =	vand.u32 $0x7, v2;
	v3 =	vand.u32 $0xFFFFFFC0, v3  }
0x31: {  	v2 =	vor.u32 v2, v3  }
0x32: {  	v2 =	vperm.xlane v2, v0;
	_ =	sdelay $0x1  }
0x33: {  	v2 =	vadd.s32 v1, v2;
	_ =	sdelay $0x3  }
0x34: {  	s11 =	simm.s32 $0x2200  }
0x35: {  	[tilespmem:s11], [sflag:$0x2] =	stream.indirect_vreg.gather [hbm4b:s3+s5], $0x80, v2, vm0, $0xb8;
	[tilespmem:$0x10200] =	vst v63  }
0x36: {  	s12 =	simm.s32 $0x2A00  }
0x37: {  	[tilespmem:s12], [sflag:$0x2] =	stream.indirect_vreg.gather [hbm4b:s13+s5], $0x80, v2, vm0, $0xb8;
	[tilespmem:$0x10200] =	vst v63  }
0x38: {  	s17 =	simm.s32 $0x3200  }
0x39: {  	[tilespmem:s17], [sflag:$0x2] =	stream.indirect_vreg.gather [hbm4b:s14+s5], $0x80, v2, vm0, $0xb8;
	[tilespmem:$0x10200] =	vst v63  }
0x3a: {  	s22 =	simm.s32 $0x3A00  }
0x3b: {  	[tilespmem:s22], [sflag:$0x2] =	stream.indirect_vreg.gather [hbm4b:s15+s5], $0x80, v2, vm0, $0xb8;
	[tilespmem:$0x10200] =	vst v63  }
0x3c: {  	v2 =	vld.msk [tilespmem:$0x10], $0xff;
	_ =	sdelay $0x4  }
0x3d: {  	v3 =	vshll.u32 v2, $0x3  }
0x3e: {  	v2 =	vand.u32 $0x7, v2;
	v3 =	vand.u32 $0xFFFFFFC0, v3  }
0x3f: {  	v2 =	vor.u32 v2, v3  }
0x40: {  	v2 =	vperm.xlane v2, v0;
	_ =	sdelay $0x1  }
0x41: {  	v2 =	vadd.s32 v1, v2;
	_ =	sdelay $0x3  }
0x42: {  	s23 =	simm.s32 $0x4200  }
0x43: {  	[tilespmem:s23], [sflag:$0x3] =	stream.indirect_vreg.gather [hbm4b:s3+s5], $0x80, v2, vm0, $0xb8;
	[tilespmem:$0x10200] =	vst v63  }
0x44: {  	s9 =	simm.s32 $0x4A00  }
0x45: {  	[tilespmem:s9], [sflag:$0x3] =	stream.indirect_vreg.gather [hbm4b:s13+s5], $0x80, v2, vm0, $0xb8;
	[tilespmem:$0x10200] =	vst v63  }
0x46: {  	s10 =	simm.s32 $0x5200  }
0x47: {  	[tilespmem:s10], [sflag:$0x3] =	stream.indirect_vreg.gather [hbm4b:s14+s5], $0x80, v2, vm0, $0xb8;
	[tilespmem:$0x10200] =	vst v63  }
0x48: {  	s11 =	simm.s32 $0x5A00  }
0x49: {  	[tilespmem:s11], [sflag:$0x3] =	stream.indirect_vreg.gather [hbm4b:s15+s5], $0x80, v2, vm0, $0xb8;
	[tilespmem:$0x10200] =	vst v63  }
0x4a: {  	v2 =	vld.msk [tilespmem:$0x18], $0xff;
	_ =	sdelay $0x4  }
0x4b: {  	v3 =	vshll.u32 v2, $0x3  }
0x4c: {  	v2 =	vand.u32 $0x7, v2;
	v3 =	vand.u32 $0xFFFFFFC0, v3  }
0x4d: {  	v2 =	vor.u32 v2, v3  }
0x4e: {  	v2 =	vperm.xlane v2, v0;
	_ =	sdelay $0x1  }
0x4f: {  	v2 =	vadd.s32 v1, v2;
	_ =	sdelay $0x3  }
0x50: {  	s12 =	simm.s32 $0x6200  }
0x51: {  	[tilespmem:s12], [sflag:$0x4] =	stream.indirect_vreg.gather [hbm4b:s3+s5], $0x80, v2, vm0, $0xb8;
	[tilespmem:$0x10200] =	vst v63  }
0x52: {  	s17 =	simm.s32 $0x6A00  }
0x53: {  	[tilespmem:s17], [sflag:$0x4] =	stream.indirect_vreg.gather [hbm4b:s13+s5], $0x80, v2, vm0, $0xb8;
	[tilespmem:$0x10200] =	vst v63  }
0x54: {  	s22 =	simm.s32 $0x7200  }
0x55: {  	[tilespmem:s22], [sflag:$0x4] =	stream.indirect_vreg.gather [hbm4b:s14+s5], $0x80, v2, vm0, $0xb8;
	[tilespmem:$0x10200] =	vst v63  }
0x56: {  	s29 =	simm.s32 $0x0;
	s23 =	simm.s32 $0x7A00  }
0x57: {  	[tilespmem:s23], [sflag:$0x4] =	stream.indirect_vreg.gather [hbm4b:s15+s5], $0x80, v2, vm0, $0xb8;
	[tilespmem:$0x10200] =	vst v63  }
.LBB2_2:
0x58: {  	s10 =	sshll.u32 s29, $0x2;
	p0 =	seq.s32 s29, $0x0  }
0x59: {  	s9 =	sor.u32 $0x2, s10;
	s8 =	simm.s32 @!p0 $0x7  }
0x5a: {  	_ =	swait.ge @!p0 [sflag:s8], $0x2000;
	s11 =	sshll.u32 @!p0 s9, $0x3  }
0x5b: {  	[sflag:s8] =	ssyncset.done @!p0 $0x0;
	s12 =	sadd.s32 @!p0 s6, s11  }
0x5c: {  	[sflag:s8] =	ssyncadd.s32 @!p0 $0xFFFFE000;
	s8 =	sshll.u32 @!p0 s12, $0x7  }
0x5d: {  	s17 =	simm.s32 @!p0 $0xC200;
	s12 =	simm.s32 @!p0 $0x0;
	s8 =	sadd.s32 @!p0 s1, s8  }
0x5e: {  	[tilespmem:s17], [sflag:$0x3] =	stream.linear.gather @!p0 [hbm4b:s8+s12], $0x2000, $0x38;
	[tilespmem:$0x10200] =	vst v63  }
0x5f: {  	v2 =	vld.msk @!p0 [tilespmem:s11+$0x0], $0xff;
	_ =	sdelay $0x4  }
0x60: {  	v3 =	vshll.u32 @!p0 v2, $0x3  }
0x61: {  	v4 =	vlaneseq.u32 @!p0;
	v2 =	vand.u32 @!p0 $0x7, v2;
	v3 =	vand.u32 @!p0 $0xFFFFFFC0, v3  }
0x62: {  	v2 =	vor.u32 @!p0 v2, v3;
	v3 =	vand.u32 @!p0 $0x7, v4;
	v4 =	vshrl.u32 @!p0 v4, $0x3  }
0x63: {  	v2 =	vperm.xlane @!p0 v2, v3;
	v3 =	vmul.u32 @!p0 $0x8, v4;
	_ =	sdelay $0x1  }
0x64: {  	v2 =	vadd.s32 @!p0 v3, v2;
	_ =	sdelay $0x3  }
0x65: {  	vm1 =	vmmov @!p0 $0xffff;
	s8 =	simm.s32 @!p0 $0x4200  }
0x66: {  	[tilespmem:s8], [sflag:$0x3] =	stream.indirect_vreg.gather @!p0 [hbm4b:s3+s12], $0x80, v2, vm1, $0xb8;
	[tilespmem:$0x10200] =	vst v63  }
0x67: {  	s8 =	simm.s32 @!p0 $0x4A00  }
0x68: {  	[tilespmem:s8], [sflag:$0x3] =	stream.indirect_vreg.gather @!p0 [hbm4b:s13+s12], $0x80, v2, vm1, $0xb8;
	[tilespmem:$0x10200] =	vst v63  }
0x69: {  	s8 =	simm.s32 @!p0 $0x5200  }
0x6a: {  	[tilespmem:s8], [sflag:$0x3] =	stream.indirect_vreg.gather @!p0 [hbm4b:s14+s12], $0x80, v2, vm1, $0xb8;
	[tilespmem:$0x10200] =	vst v63  }
0x6b: {  	s8 =	simm.s32 @!p0 $0x5A00  }
0x6c: {  	[tilespmem:s8], [sflag:$0x3] =	stream.indirect_vreg.gather @!p0 [hbm4b:s15+s12], $0x80, v2, vm1, $0xb8;
	[tilespmem:$0x10200] =	vst v63  }
0x6d: {  	_ =	swait.ge [sflag:s30], $0x2000  }
0x6e: {  	[sflag:s30] =	ssyncset.done $0x0  }
0x6f: {  	[sflag:s30] =	ssyncadd.s32 $0xFFFFE000  }
0x70: {  	_ =	swait.ge [sflag:s30], $0x2000  }
0x71: {  	[sflag:s30] =	ssyncset.done $0x0  }
0x72: {  	s11 =	simm.s32 $0x0;
	s12 =	simm.s32 $0x0;
	[sflag:s30] =	ssyncadd.s32 $0xFFFFE000  }
.LBB2_3:
0x73: {  	s17 =	sshra.s32 s11, $0x2  }
0x74: {  	v2 =	vld [tilespmem:s17+$0x670]  }
0x75: {  	v3 =	vld [tilespmem:s17+$0x200]  }
0x76: {  	v4 =	vld [tilespmem:s17+$0x210]  }
0x77: {  	v5 =	vld [tilespmem:s17+$0x220]  }
0x78: {  	v6 =	vld [tilespmem:s17+$0x230]  }
0x79: {  	v7 =	vld [tilespmem:s17+$0x240]  }
0x7a: {  	v8 =	vld [tilespmem:s17+$0x250]  }
0x7b: {  	v9 =	vld [tilespmem:s17+$0x260]  }
0x7c: {  	v10 =	vld [tilespmem:s17+$0x270]  }
0x7d: {  	v11 =	vld [tilespmem:s17+$0x600]  }
0x7e: {  	v12 =	vld [tilespmem:s17+$0x610]  }
0x7f: {  	v13 =	vld [tilespmem:s17+$0x620]  }
0x80: {  	v14 =	vld [tilespmem:s17+$0x630]  }
0x81: {  	v15 =	vld [tilespmem:s17+$0x640]  }
0x82: {  	v16 =	vld [tilespmem:s17+$0x650]  }
0x83: {  	[tilespmem:s17+$0x8670] =	vst.add.f32.msk $0xffff, v2  }
0x84: {  	v2 =	vld [tilespmem:s17+$0x660]  }
0x85: {  	[tilespmem:s17+$0x8200] =	vst.add.f32.msk $0xffff, v3  }
0x86: {  	[tilespmem:s17+$0x8210] =	vst.add.f32.msk $0xffff, v4  }
0x87: {  	[tilespmem:s17+$0x8220] =	vst.add.f32.msk $0xffff, v5  }
0x88: {  	[tilespmem:s17+$0x8230] =	vst.add.f32.msk $0xffff, v6  }
0x89: {  	[tilespmem:s17+$0x8240] =	vst.add.f32.msk $0xffff, v7  }
0x8a: {  	[tilespmem:s17+$0x8250] =	vst.add.f32.msk $0xffff, v8  }
0x8b: {  	[tilespmem:s17+$0x8260] =	vst.add.f32.msk $0xffff, v9  }
0x8c: {  	[tilespmem:s17+$0x8270] =	vst.add.f32.msk $0xffff, v10  }
0x8d: {  	[tilespmem:s17+$0x8600] =	vst.add.f32.msk $0xffff, v11  }
0x8e: {  	[tilespmem:s17+$0x8610] =	vst.add.f32.msk $0xffff, v12  }
0x8f: {  	[tilespmem:s17+$0x8620] =	vst.add.f32.msk $0xffff, v13  }
0x90: {  	[tilespmem:s17+$0x8630] =	vst.add.f32.msk $0xffff, v14  }
0x91: {  	[tilespmem:s17+$0x8640] =	vst.add.f32.msk $0xffff, v15  }
0x92: {  	s8 =	simm.s32 $0x0;
	s22 =	sadd.s32 $0x2000, s11;
	[tilespmem:s17+$0x8650] =	vst.add.f32.msk $0xffff, v16  }
.LBB2_4:
0x93: {  	s8 =	sadd.s32 $0x10, s8;
	[tilespmem:s17+$0x8660] =	vst.add.f32.msk $0xffff, v2;
	s17 =	sshra.s32 s22, $0x2  }
0x94: {  	v2 =	vld [tilespmem:s17+$0x670];
	p1 =	slt.u32 s8, $0x30  }
0x95: {  	v3 =	vld [tilespmem:s17+$0x200]  }
0x96: {  	v4 =	vld [tilespmem:s17+$0x210]  }
0x97: {  	v5 =	vld [tilespmem:s17+$0x220]  }
0x98: {  	v6 =	vld [tilespmem:s17+$0x230]  }
0x99: {  	[tilespmem:s17+$0x8670] =	vst.add.f32.msk $0xffff, v2  }
0x9a: {  	v7 =	vld [tilespmem:s17+$0x240]  }
0x9b: {  	v8 =	vld [tilespmem:s17+$0x250]  }
0x9c: {  	v9 =	vld [tilespmem:s17+$0x260]  }
0x9d: {  	v10 =	vld [tilespmem:s17+$0x270]  }
0x9e: {  	v11 =	vld [tilespmem:s17+$0x600]  }
0x9f: {  	v12 =	vld [tilespmem:s17+$0x610]  }
0xa0: {  	v13 =	vld [tilespmem:s17+$0x620]  }
0xa1: {  	v14 =	vld [tilespmem:s17+$0x630]  }
0xa2: {  	v15 =	vld [tilespmem:s17+$0x640]  }
0xa3: {  	v16 =	vld [tilespmem:s17+$0x650]  }
0xa4: {  	v2 =	vld [tilespmem:s17+$0x660]  }
0xa5: {  	[tilespmem:s17+$0x8200] =	vst.add.f32.msk $0xffff, v3  }
0xa6: {  	[tilespmem:s17+$0x8210] =	vst.add.f32.msk $0xffff, v4  }
0xa7: {  	[tilespmem:s17+$0x8220] =	vst.add.f32.msk $0xffff, v5  }
0xa8: {  	[tilespmem:s17+$0x8230] =	vst.add.f32.msk $0xffff, v6  }
0xa9: {  	[tilespmem:s17+$0x8240] =	vst.add.f32.msk $0xffff, v7  }
0xaa: {  	[tilespmem:s17+$0x8250] =	vst.add.f32.msk $0xffff, v8  }
0xab: {  	[tilespmem:s17+$0x8260] =	vst.add.f32.msk $0xffff, v9  }
0xac: {  	[tilespmem:s17+$0x8270] =	vst.add.f32.msk $0xffff, v10  }
0xad: {  	[tilespmem:s17+$0x8600] =	vst.add.f32.msk $0xffff, v11  }
.Ltmp0:
0xae: {  	[tilespmem:s17+$0x8610] =	vst.add.f32.msk $0xffff, v12;
	(pc) =	sbr.rel @p1 .LBB2_4-.Ltmp0, $4  }
0xaf: {  	[tilespmem:s17+$0x8620] =	vst.add.f32.msk $0xffff, v13  }
0xb0: {  	[tilespmem:s17+$0x8630] =	vst.add.f32.msk $0xffff, v14  }
0xb1: {  	[tilespmem:s17+$0x8640] =	vst.add.f32.msk $0xffff, v15  }
0xb2: {  	s22 =	sadd.s32 $0x2000, s22;
	[tilespmem:s17+$0x8650] =	vst.add.f32.msk $0xffff, v16  }
0xb3: {  	s12 =	sadd.s32 $0x1, s12  }
0xb4: {  	p1 =	sne.s32 s12, $0x8  }
.Ltmp1:
0xb5: {  	_ = 	snop;
	(pc) =	sbr.rel @p1 .LBB2_3-.Ltmp1, $2  }
0xb6: {  	_ =	sdelay $0x2  }
0xb7: {  	[tilespmem:s17+$0x8660] =	vst.add.f32.msk $0xffff, v2;
	s11 =	sadd.s32 $0x200, s11  }
0xb8: {  	s8 =	sshll.u32 s29, $0xC  }
0xb9: {  	s8 =	sadd.s32 s8, s16  }
0xba: {  	[hbm4b:s8+s5] =	stream.linear.scatter [tilespmem:s18], [sflag:$0x5], $0x2000, $0x38;
	[tilespmem:$0x10200] =	vst v63  }
0xbb: {  	s10 =	sor.u32 $0x3, s10;
	s8 =	simm.s32 @!p0 $0x8  }
0xbc: {  	s11 =	sshll.u32 @!p0 s10, $0x3;
	_ =	swait.ge @!p0 [sflag:s8], $0x2000  }
0xbd: {  	s12 =	sadd.s32 @!p0 s6, s11;
	[sflag:s8] =	ssyncset.done @!p0 $0x0  }
0xbe: {  	[sflag:s8] =	ssyncadd.s32 @!p0 $0xFFFFE000;
	s8 =	sshll.u32 @!p0 s12, $0x7  }
0xbf: {  	s17 =	simm.s32 @!p0 $0xE200;
	s12 =	simm.s32 @!p0 $0x0;
	s8 =	sadd.s32 @!p0 s1, s8  }
0xc0: {  	[tilespmem:s17], [sflag:$0x4] =	stream.linear.gather @!p0 [hbm4b:s8+s12], $0x2000, $0x38;
	[tilespmem:$0x10200] =	vst v63  }
0xc1: {  	v2 =	vld.msk @!p0 [tilespmem:s11+$0x0], $0xff;
	_ =	sdelay $0x4  }
0xc2: {  	v3 =	vshll.u32 @!p0 v2, $0x3  }
0xc3: {  	v4 =	vlaneseq.u32 @!p0;
	v2 =	vand.u32 @!p0 $0x7, v2;
	v3 =	vand.u32 @!p0 $0xFFFFFFC0, v3  }
0xc4: {  	v2 =	vor.u32 @!p0 v2, v3;
	v3 =	vand.u32 @!p0 $0x7, v4;
	v4 =	vshrl.u32 @!p0 v4, $0x3  }
0xc5: {  	v2 =	vperm.xlane @!p0 v2, v3;
	v3 =	vmul.u32 @!p0 $0x8, v4;
	_ =	sdelay $0x1  }
0xc6: {  	v2 =	vadd.s32 @!p0 v3, v2;
	_ =	sdelay $0x3  }
0xc7: {  	s8 =	simm.s32 @!p0 $0x6200  }
0xc8: {  	[tilespmem:s8], [sflag:$0x4] =	stream.indirect_vreg.gather @!p0 [hbm4b:s3+s12], $0x80, v2, vm1, $0xb8;
	[tilespmem:$0x10200] =	vst v63  }
0xc9: {  	s8 =	simm.s32 @!p0 $0x6A00  }
0xca: {  	[tilespmem:s8], [sflag:$0x4] =	stream.indirect_vreg.gather @!p0 [hbm4b:s13+s12], $0x80, v2, vm1, $0xb8;
	[tilespmem:$0x10200] =	vst v63  }
0xcb: {  	s8 =	simm.s32 @!p0 $0x7200  }
0xcc: {  	[tilespmem:s8], [sflag:$0x4] =	stream.indirect_vreg.gather @!p0 [hbm4b:s14+s12], $0x80, v2, vm1, $0xb8;
	[tilespmem:$0x10200] =	vst v63  }
0xcd: {  	s8 =	simm.s32 @!p0 $0x7A00  }
0xce: {  	[tilespmem:s8], [sflag:$0x4] =	stream.indirect_vreg.gather @!p0 [hbm4b:s15+s12], $0x80, v2, vm1, $0xb8;
	[tilespmem:$0x10200] =	vst v63  }
0xcf: {  	_ =	swait.ge [sflag:s31], $0x2000  }
0xd0: {  	[sflag:s31] =	ssyncset.done $0x0  }
0xd1: {  	[sflag:s31] =	ssyncadd.s32 $0xFFFFE000  }
0xd2: {  	_ =	swait.ge [sflag:s31], $0x2000  }
0xd3: {  	[sflag:s31] =	ssyncset.done $0x0  }
0xd4: {  	s11 =	simm.s32 $0x0;
	s12 =	simm.s32 $0x0;
	[sflag:s31] =	ssyncadd.s32 $0xFFFFE000  }
.LBB2_7:
0xd5: {  	s17 =	sshra.s32 s11, $0x2  }
0xd6: {  	v2 =	vld [tilespmem:s17+$0x2670]  }
0xd7: {  	v3 =	vld [tilespmem:s17+$0x2200]  }
0xd8: {  	v4 =	vld [tilespmem:s17+$0x2210]  }
0xd9: {  	v5 =	vld [tilespmem:s17+$0x2220]  }
0xda: {  	v6 =	vld [tilespmem:s17+$0x2230]  }
0xdb: {  	v7 =	vld [tilespmem:s17+$0x2240]  }
0xdc: {  	v8 =	vld [tilespmem:s17+$0x2250]  }
0xdd: {  	v9 =	vld [tilespmem:s17+$0x2260]  }
0xde: {  	v10 =	vld [tilespmem:s17+$0x2270]  }
0xdf: {  	v11 =	vld [tilespmem:s17+$0x2600]  }
0xe0: {  	v12 =	vld [tilespmem:s17+$0x2610]  }
0xe1: {  	v13 =	vld [tilespmem:s17+$0x2620]  }
0xe2: {  	v14 =	vld [tilespmem:s17+$0x2630]  }
0xe3: {  	v15 =	vld [tilespmem:s17+$0x2640]  }
0xe4: {  	v16 =	vld [tilespmem:s17+$0x2650]  }
0xe5: {  	[tilespmem:s17+$0xA670] =	vst.add.f32.msk $0xffff, v2  }
0xe6: {  	v2 =	vld [tilespmem:s17+$0x2660]  }
0xe7: {  	[tilespmem:s17+$0xA200] =	vst.add.f32.msk $0xffff, v3  }
0xe8: {  	[tilespmem:s17+$0xA210] =	vst.add.f32.msk $0xffff, v4  }
0xe9: {  	[tilespmem:s17+$0xA220] =	vst.add.f32.msk $0xffff, v5  }
0xea: {  	[tilespmem:s17+$0xA230] =	vst.add.f32.msk $0xffff, v6  }
0xeb: {  	[tilespmem:s17+$0xA240] =	vst.add.f32.msk $0xffff, v7  }
0xec: {  	[tilespmem:s17+$0xA250] =	vst.add.f32.msk $0xffff, v8  }
0xed: {  	[tilespmem:s17+$0xA260] =	vst.add.f32.msk $0xffff, v9  }
0xee: {  	[tilespmem:s17+$0xA270] =	vst.add.f32.msk $0xffff, v10  }
0xef: {  	[tilespmem:s17+$0xA600] =	vst.add.f32.msk $0xffff, v11  }
0xf0: {  	[tilespmem:s17+$0xA610] =	vst.add.f32.msk $0xffff, v12  }
0xf1: {  	[tilespmem:s17+$0xA620] =	vst.add.f32.msk $0xffff, v13  }
0xf2: {  	[tilespmem:s17+$0xA630] =	vst.add.f32.msk $0xffff, v14  }
0xf3: {  	[tilespmem:s17+$0xA640] =	vst.add.f32.msk $0xffff, v15  }
0xf4: {  	s8 =	simm.s32 $0x0;
	s22 =	sadd.s32 $0x2000, s11;
	[tilespmem:s17+$0xA650] =	vst.add.f32.msk $0xffff, v16  }
.LBB2_8:
0xf5: {  	s8 =	sadd.s32 $0x10, s8;
	[tilespmem:s17+$0xA660] =	vst.add.f32.msk $0xffff, v2;
	s17 =	sshra.s32 s22, $0x2  }
0xf6: {  	v2 =	vld [tilespmem:s17+$0x2670];
	p0 =	slt.u32 s8, $0x30  }
0xf7: {  	v3 =	vld [tilespmem:s17+$0x2200]  }
0xf8: {  	v4 =	vld [tilespmem:s17+$0x2210]  }
0xf9: {  	v5 =	vld [tilespmem:s17+$0x2220]  }
0xfa: {  	v6 =	vld [tilespmem:s17+$0x2230]  }
0xfb: {  	[tilespmem:s17+$0xA670] =	vst.add.f32.msk $0xffff, v2  }
0xfc: {  	v7 =	vld [tilespmem:s17+$0x2240]  }
0xfd: {  	v8 =	vld [tilespmem:s17+$0x2250]  }
0xfe: {  	v9 =	vld [tilespmem:s17+$0x2260]  }
0xff: {  	v10 =	vld [tilespmem:s17+$0x2270]  }
0x100: {  	v11 =	vld [tilespmem:s17+$0x2600]  }
0x101: {  	v12 =	vld [tilespmem:s17+$0x2610]  }
0x102: {  	v13 =	vld [tilespmem:s17+$0x2620]  }
0x103: {  	v14 =	vld [tilespmem:s17+$0x2630]  }
0x104: {  	v15 =	vld [tilespmem:s17+$0x2640]  }
0x105: {  	v16 =	vld [tilespmem:s17+$0x2650]  }
0x106: {  	v2 =	vld [tilespmem:s17+$0x2660]  }
0x107: {  	[tilespmem:s17+$0xA200] =	vst.add.f32.msk $0xffff, v3  }
0x108: {  	[tilespmem:s17+$0xA210] =	vst.add.f32.msk $0xffff, v4  }
0x109: {  	[tilespmem:s17+$0xA220] =	vst.add.f32.msk $0xffff, v5  }
0x10a: {  	[tilespmem:s17+$0xA230] =	vst.add.f32.msk $0xffff, v6  }
0x10b: {  	[tilespmem:s17+$0xA240] =	vst.add.f32.msk $0xffff, v7  }
0x10c: {  	[tilespmem:s17+$0xA250] =	vst.add.f32.msk $0xffff, v8  }
0x10d: {  	[tilespmem:s17+$0xA260] =	vst.add.f32.msk $0xffff, v9  }
0x10e: {  	[tilespmem:s17+$0xA270] =	vst.add.f32.msk $0xffff, v10  }
0x10f: {  	[tilespmem:s17+$0xA600] =	vst.add.f32.msk $0xffff, v11  }
.Ltmp2:
0x110: {  	[tilespmem:s17+$0xA610] =	vst.add.f32.msk $0xffff, v12;
	(pc) =	sbr.rel @p0 .LBB2_8-.Ltmp2, $4  }
0x111: {  	[tilespmem:s17+$0xA620] =	vst.add.f32.msk $0xffff, v13  }
0x112: {  	[tilespmem:s17+$0xA630] =	vst.add.f32.msk $0xffff, v14  }
0x113: {  	[tilespmem:s17+$0xA640] =	vst.add.f32.msk $0xffff, v15  }
0x114: {  	s22 =	sadd.s32 $0x2000, s22;
	[tilespmem:s17+$0xA650] =	vst.add.f32.msk $0xffff, v16  }
0x115: {  	s12 =	sadd.s32 $0x1, s12  }
0x116: {  	p0 =	sne.s32 s12, $0x8  }
.Ltmp3:
0x117: {  	_ = 	snop;
	(pc) =	sbr.rel @p0 .LBB2_7-.Ltmp3, $2  }
0x118: {  	_ =	sdelay $0x2  }
0x119: {  	[tilespmem:s17+$0xA660] =	vst.add.f32.msk $0xffff, v2;
	s11 =	sadd.s32 $0x200, s11  }
0x11a: {  	s11 =	sshll.u32 s29, $0x5  }
0x11b: {  	s8 =	sadd.s32 s11, s6  }
0x11c: {  	s8 =	sshll.u32 s8, $0x7  }
0x11d: {  	s8 =	sadd.s32 s4, s8  }
0x11e: {  	p0 =	seq.s32 s29, $0xF;
	s8 =	sadd.s32 $0x400, s8  }
0x11f: {  	[hbm4b:s8+s5] =	stream.linear.scatter [tilespmem:s19], [sflag:$0x6], $0x2000, $0x38;
	[tilespmem:$0x10200] =	vst v63  }
0x120: {  	s8 =	simm.s32 @!p0 $0x5  }
0x121: {  	s12 =	sadd.s32 @!p0 $0x20, s11;
	_ =	swait.ge @!p0 [sflag:s8], $0x2000  }
0x122: {  	s12 =	sadd.s32 @!p0 s6, s12;
	[sflag:s8] =	ssyncset.done @!p0 $0x0  }
0x123: {  	[sflag:s8] =	ssyncadd.s32 @!p0 $0xFFFFE000;
	s8 =	sshll.u32 @!p0 s12, $0x7  }
0x124: {  	s17 =	simm.s32 @!p0 $0x8200;
	s12 =	simm.s32 @!p0 $0x0;
	s8 =	sadd.s32 @!p0 s1, s8  }
0x125: {  	[tilespmem:s17], [sflag:$0x1] =	stream.linear.gather @!p0 [hbm4b:s8+s12], $0x2000, $0x38;
	[tilespmem:$0x10200] =	vst v63  }
0x126: {  	v2 =	vld.msk @!p0 [tilespmem:s11+$0x20], $0xff;
	_ =	sdelay $0x4  }
0x127: {  	v3 =	vshll.u32 @!p0 v2, $0x3  }
0x128: {  	v4 =	vlaneseq.u32 @!p0;
	v2 =	vand.u32 @!p0 $0x7, v2;
	v3 =	vand.u32 @!p0 $0xFFFFFFC0, v3  }
0x129: {  	v2 =	vor.u32 @!p0 v2, v3;
	v3 =	vand.u32 @!p0 $0x7, v4;
	v4 =	vshrl.u32 @!p0 v4, $0x3  }
0x12a: {  	v2 =	vperm.xlane @!p0 v2, v3;
	v3 =	vmul.u32 @!p0 $0x8, v4;
	_ =	sdelay $0x1  }
0x12b: {  	v2 =	vadd.s32 @!p0 v3, v2;
	_ =	sdelay $0x3  }
0x12c: {  	vm1 =	vmmov @!p0 $0xffff;
	s8 =	simm.s32 @!p0 $0x200  }
0x12d: {  	[tilespmem:s8], [sflag:$0x1] =	stream.indirect_vreg.gather @!p0 [hbm4b:s3+s12], $0x80, v2, vm1, $0xb8;
	[tilespmem:$0x10200] =	vst v63  }
0x12e: {  	s8 =	simm.s32 @!p0 $0xA00  }
0x12f: {  	[tilespmem:s8], [sflag:$0x1] =	stream.indirect_vreg.gather @!p0 [hbm4b:s13+s12], $0x80, v2, vm1, $0xb8;
	[tilespmem:$0x10200] =	vst v63  }
0x130: {  	s8 =	simm.s32 @!p0 $0x1200  }
0x131: {  	[tilespmem:s8], [sflag:$0x1] =	stream.indirect_vreg.gather @!p0 [hbm4b:s14+s12], $0x80, v2, vm1, $0xb8;
	[tilespmem:$0x10200] =	vst v63  }
0x132: {  	s8 =	simm.s32 @!p0 $0x1A00  }
0x133: {  	[tilespmem:s8], [sflag:$0x1] =	stream.indirect_vreg.gather @!p0 [hbm4b:s15+s12], $0x80, v2, vm1, $0xb8;
	[tilespmem:$0x10200] =	vst v63  }
0x134: {  	_ =	swait.ge [sflag:s0], $0x2000  }
0x135: {  	[sflag:s0] =	ssyncset.done $0x0  }
0x136: {  	[sflag:s0] =	ssyncadd.s32 $0xFFFFE000  }
0x137: {  	_ =	swait.ge [sflag:s0], $0x2000  }
0x138: {  	[sflag:s0] =	ssyncset.done $0x0  }
0x139: {  	s17 =	simm.s32 $0x0;
	s12 =	simm.s32 $0x0;
	[sflag:s0] =	ssyncadd.s32 $0xFFFFE000  }
.LBB2_11:
0x13a: {  	s8 =	sshra.s32 s12, $0x2  }
0x13b: {  	v2 =	vld [tilespmem:s8+$0x4670]  }
0x13c: {  	v3 =	vld [tilespmem:s8+$0x4200]  }
0x13d: {  	v4 =	vld [tilespmem:s8+$0x4210]  }
0x13e: {  	v5 =	vld [tilespmem:s8+$0x4220]  }
0x13f: {  	v6 =	vld [tilespmem:s8+$0x4230]  }
0x140: {  	v7 =	vld [tilespmem:s8+$0x4240]  }
0x141: {  	v8 =	vld [tilespmem:s8+$0x4250]  }
0x142: {  	v9 =	vld [tilespmem:s8+$0x4260]  }
0x143: {  	v10 =	vld [tilespmem:s8+$0x4270]  }
0x144: {  	v11 =	vld [tilespmem:s8+$0x4600]  }
0x145: {  	v12 =	vld [tilespmem:s8+$0x4610]  }
0x146: {  	v13 =	vld [tilespmem:s8+$0x4620]  }
0x147: {  	v14 =	vld [tilespmem:s8+$0x4630]  }
0x148: {  	v15 =	vld [tilespmem:s8+$0x4640]  }
0x149: {  	v16 =	vld [tilespmem:s8+$0x4650]  }
0x14a: {  	[tilespmem:s8+$0xC670] =	vst.add.f32.msk $0xffff, v2  }
0x14b: {  	v2 =	vld [tilespmem:s8+$0x4660]  }
0x14c: {  	[tilespmem:s8+$0xC200] =	vst.add.f32.msk $0xffff, v3  }
0x14d: {  	[tilespmem:s8+$0xC210] =	vst.add.f32.msk $0xffff, v4  }
0x14e: {  	[tilespmem:s8+$0xC220] =	vst.add.f32.msk $0xffff, v5  }
0x14f: {  	[tilespmem:s8+$0xC230] =	vst.add.f32.msk $0xffff, v6  }
0x150: {  	[tilespmem:s8+$0xC240] =	vst.add.f32.msk $0xffff, v7  }
0x151: {  	[tilespmem:s8+$0xC250] =	vst.add.f32.msk $0xffff, v8  }
0x152: {  	[tilespmem:s8+$0xC260] =	vst.add.f32.msk $0xffff, v9  }
0x153: {  	[tilespmem:s8+$0xC270] =	vst.add.f32.msk $0xffff, v10  }
0x154: {  	[tilespmem:s8+$0xC600] =	vst.add.f32.msk $0xffff, v11  }
0x155: {  	[tilespmem:s8+$0xC610] =	vst.add.f32.msk $0xffff, v12  }
0x156: {  	[tilespmem:s8+$0xC620] =	vst.add.f32.msk $0xffff, v13  }
0x157: {  	[tilespmem:s8+$0xC630] =	vst.add.f32.msk $0xffff, v14  }
0x158: {  	[tilespmem:s8+$0xC640] =	vst.add.f32.msk $0xffff, v15  }
0x159: {  	s22 =	simm.s32 $0x0;
	s23 =	sadd.s32 $0x2000, s12;
	[tilespmem:s8+$0xC650] =	vst.add.f32.msk $0xffff, v16  }
.LBB2_12:
0x15a: {  	s22 =	sadd.s32 $0x10, s22;
	[tilespmem:s8+$0xC660] =	vst.add.f32.msk $0xffff, v2;
	s8 =	sshra.s32 s23, $0x2  }
0x15b: {  	v2 =	vld [tilespmem:s8+$0x4670];
	p1 =	slt.u32 s22, $0x30  }
0x15c: {  	v3 =	vld [tilespmem:s8+$0x4200]  }
0x15d: {  	v4 =	vld [tilespmem:s8+$0x4210]  }
0x15e: {  	v5 =	vld [tilespmem:s8+$0x4220]  }
0x15f: {  	v6 =	vld [tilespmem:s8+$0x4230]  }
0x160: {  	[tilespmem:s8+$0xC670] =	vst.add.f32.msk $0xffff, v2  }
0x161: {  	v7 =	vld [tilespmem:s8+$0x4240]  }
0x162: {  	v8 =	vld [tilespmem:s8+$0x4250]  }
0x163: {  	v9 =	vld [tilespmem:s8+$0x4260]  }
0x164: {  	v10 =	vld [tilespmem:s8+$0x4270]  }
0x165: {  	v11 =	vld [tilespmem:s8+$0x4600]  }
0x166: {  	v12 =	vld [tilespmem:s8+$0x4610]  }
0x167: {  	v13 =	vld [tilespmem:s8+$0x4620]  }
0x168: {  	v14 =	vld [tilespmem:s8+$0x4630]  }
0x169: {  	v15 =	vld [tilespmem:s8+$0x4640]  }
0x16a: {  	v16 =	vld [tilespmem:s8+$0x4650]  }
0x16b: {  	v2 =	vld [tilespmem:s8+$0x4660]  }
0x16c: {  	[tilespmem:s8+$0xC200] =	vst.add.f32.msk $0xffff, v3  }
0x16d: {  	[tilespmem:s8+$0xC210] =	vst.add.f32.msk $0xffff, v4  }
0x16e: {  	[tilespmem:s8+$0xC220] =	vst.add.f32.msk $0xffff, v5  }
0x16f: {  	[tilespmem:s8+$0xC230] =	vst.add.f32.msk $0xffff, v6  }
0x170: {  	[tilespmem:s8+$0xC240] =	vst.add.f32.msk $0xffff, v7  }
0x171: {  	[tilespmem:s8+$0xC250] =	vst.add.f32.msk $0xffff, v8  }
0x172: {  	[tilespmem:s8+$0xC260] =	vst.add.f32.msk $0xffff, v9  }
0x173: {  	[tilespmem:s8+$0xC270] =	vst.add.f32.msk $0xffff, v10  }
0x174: {  	[tilespmem:s8+$0xC600] =	vst.add.f32.msk $0xffff, v11  }
.Ltmp4:
0x175: {  	[tilespmem:s8+$0xC610] =	vst.add.f32.msk $0xffff, v12;
	(pc) =	sbr.rel @p1 .LBB2_12-.Ltmp4, $4  }
0x176: {  	[tilespmem:s8+$0xC620] =	vst.add.f32.msk $0xffff, v13  }
0x177: {  	[tilespmem:s8+$0xC630] =	vst.add.f32.msk $0xffff, v14  }
0x178: {  	[tilespmem:s8+$0xC640] =	vst.add.f32.msk $0xffff, v15  }
0x179: {  	s23 =	sadd.s32 $0x2000, s23;
	[tilespmem:s8+$0xC650] =	vst.add.f32.msk $0xffff, v16  }
0x17a: {  	s17 =	sadd.s32 $0x1, s17  }
0x17b: {  	p1 =	sne.s32 s17, $0x8  }
.Ltmp5:
0x17c: {  	_ = 	snop;
	(pc) =	sbr.rel @p1 .LBB2_11-.Ltmp5, $2  }
0x17d: {  	_ =	sdelay $0x2  }
0x17e: {  	[tilespmem:s8+$0xC660] =	vst.add.f32.msk $0xffff, v2;
	s12 =	sadd.s32 $0x200, s12  }
0x17f: {  	s8 =	sadd.s32 s7, s9  }
0x180: {  	s8 =	sshll.u32 s8, $0xA  }
0x181: {  	s8 =	sand.u32 $0x1FFFF800, s8  }
0x182: {  	s8 =	sadd.s32 s4, s8  }
0x183: {  	[hbm4b:s8+s5] =	stream.linear.scatter [tilespmem:s20], [sflag:$0x7], $0x2000, $0x38;
	[tilespmem:$0x10200] =	vst v63  }
0x184: {  	s8 =	simm.s32 @!p0 $0x6  }
0x185: {  	s9 =	sadd.s32 @!p0 $0x28, s11;
	_ =	swait.ge @!p0 [sflag:s8], $0x2000  }
0x186: {  	s9 =	sadd.s32 @!p0 s6, s9;
	[sflag:s8] =	ssyncset.done @!p0 $0x0  }
0x187: {  	[sflag:s8] =	ssyncadd.s32 @!p0 $0xFFFFE000;
	s8 =	sshll.u32 @!p0 s9, $0x7  }
0x188: {  	s12 =	simm.s32 @!p0 $0xA200;
	s9 =	simm.s32 @!p0 $0x0;
	s8 =	sadd.s32 @!p0 s1, s8  }
0x189: {  	[tilespmem:s12], [sflag:$0x2] =	stream.linear.gather @!p0 [hbm4b:s8+s9], $0x2000, $0x38;
	[tilespmem:$0x10200] =	vst v63  }
0x18a: {  	v2 =	vld.msk @!p0 [tilespmem:s11+$0x28], $0xff;
	_ =	sdelay $0x4  }
0x18b: {  	v3 =	vshll.u32 @!p0 v2, $0x3  }
0x18c: {  	v4 =	vlaneseq.u32 @!p0;
	v2 =	vand.u32 @!p0 $0x7, v2;
	v3 =	vand.u32 @!p0 $0xFFFFFFC0, v3  }
0x18d: {  	v2 =	vor.u32 @!p0 v2, v3;
	v3 =	vand.u32 @!p0 $0x7, v4;
	v4 =	vshrl.u32 @!p0 v4, $0x3  }
0x18e: {  	v2 =	vperm.xlane @!p0 v2, v3;
	v3 =	vmul.u32 @!p0 $0x8, v4;
	_ =	sdelay $0x1  }
0x18f: {  	v2 =	vadd.s32 @!p0 v3, v2;
	_ =	sdelay $0x3  }
0x190: {  	s8 =	simm.s32 @!p0 $0x2200  }
0x191: {  	[tilespmem:s8], [sflag:$0x2] =	stream.indirect_vreg.gather @!p0 [hbm4b:s3+s9], $0x80, v2, vm1, $0xb8;
	[tilespmem:$0x10200] =	vst v63  }
0x192: {  	s8 =	simm.s32 @!p0 $0x2A00  }
0x193: {  	[tilespmem:s8], [sflag:$0x2] =	stream.indirect_vreg.gather @!p0 [hbm4b:s13+s9], $0x80, v2, vm1, $0xb8;
	[tilespmem:$0x10200] =	vst v63  }
0x194: {  	s8 =	simm.s32 @!p0 $0x3200  }
0x195: {  	[tilespmem:s8], [sflag:$0x2] =	stream.indirect_vreg.gather @!p0 [hbm4b:s14+s9], $0x80, v2, vm1, $0xb8;
	[tilespmem:$0x10200] =	vst v63  }
0x196: {  	s8 =	simm.s32 @!p0 $0x3A00  }
0x197: {  	[tilespmem:s8], [sflag:$0x2] =	stream.indirect_vreg.gather @!p0 [hbm4b:s15+s9], $0x80, v2, vm1, $0xb8;
	[tilespmem:$0x10200] =	vst v63  }
0x198: {  	_ =	swait.ge [sflag:s2], $0x2000  }
0x199: {  	[sflag:s2] =	ssyncset.done $0x0  }
0x19a: {  	[sflag:s2] =	ssyncadd.s32 $0xFFFFE000  }
0x19b: {  	_ =	swait.ge [sflag:s2], $0x2000  }
0x19c: {  	[sflag:s2] =	ssyncset.done $0x0  }
0x19d: {  	s11 =	simm.s32 $0x0;
	s9 =	simm.s32 $0x0;
	[sflag:s2] =	ssyncadd.s32 $0xFFFFE000  }
.LBB2_15:
0x19e: {  	s8 =	sshra.s32 s9, $0x2  }
0x19f: {  	v2 =	vld [tilespmem:s8+$0x6670]  }
0x1a0: {  	v3 =	vld [tilespmem:s8+$0x6200]  }
0x1a1: {  	v4 =	vld [tilespmem:s8+$0x6210]  }
0x1a2: {  	v5 =	vld [tilespmem:s8+$0x6220]  }
0x1a3: {  	v6 =	vld [tilespmem:s8+$0x6230]  }
0x1a4: {  	v7 =	vld [tilespmem:s8+$0x6240]  }
0x1a5: {  	v8 =	vld [tilespmem:s8+$0x6250]  }
0x1a6: {  	v9 =	vld [tilespmem:s8+$0x6260]  }
0x1a7: {  	v10 =	vld [tilespmem:s8+$0x6270]  }
0x1a8: {  	v11 =	vld [tilespmem:s8+$0x6600]  }
0x1a9: {  	v12 =	vld [tilespmem:s8+$0x6610]  }
0x1aa: {  	v13 =	vld [tilespmem:s8+$0x6620]  }
0x1ab: {  	v14 =	vld [tilespmem:s8+$0x6630]  }
0x1ac: {  	v15 =	vld [tilespmem:s8+$0x6640]  }
0x1ad: {  	v16 =	vld [tilespmem:s8+$0x6650]  }
0x1ae: {  	[tilespmem:s8+$0xE670] =	vst.add.f32.msk $0xffff, v2  }
0x1af: {  	v2 =	vld [tilespmem:s8+$0x6660]  }
0x1b0: {  	[tilespmem:s8+$0xE200] =	vst.add.f32.msk $0xffff, v3  }
0x1b1: {  	[tilespmem:s8+$0xE210] =	vst.add.f32.msk $0xffff, v4  }
0x1b2: {  	[tilespmem:s8+$0xE220] =	vst.add.f32.msk $0xffff, v5  }
0x1b3: {  	[tilespmem:s8+$0xE230] =	vst.add.f32.msk $0xffff, v6  }
0x1b4: {  	[tilespmem:s8+$0xE240] =	vst.add.f32.msk $0xffff, v7  }
0x1b5: {  	[tilespmem:s8+$0xE250] =	vst.add.f32.msk $0xffff, v8  }
0x1b6: {  	[tilespmem:s8+$0xE260] =	vst.add.f32.msk $0xffff, v9  }
0x1b7: {  	[tilespmem:s8+$0xE270] =	vst.add.f32.msk $0xffff, v10  }
0x1b8: {  	[tilespmem:s8+$0xE600] =	vst.add.f32.msk $0xffff, v11  }
0x1b9: {  	[tilespmem:s8+$0xE610] =	vst.add.f32.msk $0xffff, v12  }
0x1ba: {  	[tilespmem:s8+$0xE620] =	vst.add.f32.msk $0xffff, v13  }
0x1bb: {  	[tilespmem:s8+$0xE630] =	vst.add.f32.msk $0xffff, v14  }
0x1bc: {  	[tilespmem:s8+$0xE640] =	vst.add.f32.msk $0xffff, v15  }
0x1bd: {  	s12 =	simm.s32 $0x0;
	s17 =	sadd.s32 $0x2000, s9;
	[tilespmem:s8+$0xE650] =	vst.add.f32.msk $0xffff, v16  }
.LBB2_16:
0x1be: {  	s12 =	sadd.s32 $0x10, s12;
	[tilespmem:s8+$0xE660] =	vst.add.f32.msk $0xffff, v2;
	s8 =	sshra.s32 s17, $0x2  }
0x1bf: {  	v2 =	vld [tilespmem:s8+$0x6670];
	p0 =	slt.u32 s12, $0x30  }
0x1c0: {  	v3 =	vld [tilespmem:s8+$0x6200]  }
0x1c1: {  	v4 =	vld [tilespmem:s8+$0x6210]  }
0x1c2: {  	v5 =	vld [tilespmem:s8+$0x6220]  }
0x1c3: {  	v6 =	vld [tilespmem:s8+$0x6230]  }
0x1c4: {  	[tilespmem:s8+$0xE670] =	vst.add.f32.msk $0xffff, v2  }
0x1c5: {  	v7 =	vld [tilespmem:s8+$0x6240]  }
0x1c6: {  	v8 =	vld [tilespmem:s8+$0x6250]  }
0x1c7: {  	v9 =	vld [tilespmem:s8+$0x6260]  }
0x1c8: {  	v10 =	vld [tilespmem:s8+$0x6270]  }
0x1c9: {  	v11 =	vld [tilespmem:s8+$0x6600]  }
0x1ca: {  	v12 =	vld [tilespmem:s8+$0x6610]  }
0x1cb: {  	v13 =	vld [tilespmem:s8+$0x6620]  }
0x1cc: {  	v14 =	vld [tilespmem:s8+$0x6630]  }
0x1cd: {  	v15 =	vld [tilespmem:s8+$0x6640]  }
0x1ce: {  	v16 =	vld [tilespmem:s8+$0x6650]  }
0x1cf: {  	v2 =	vld [tilespmem:s8+$0x6660]  }
0x1d0: {  	[tilespmem:s8+$0xE200] =	vst.add.f32.msk $0xffff, v3  }
0x1d1: {  	[tilespmem:s8+$0xE210] =	vst.add.f32.msk $0xffff, v4  }
0x1d2: {  	[tilespmem:s8+$0xE220] =	vst.add.f32.msk $0xffff, v5  }
0x1d3: {  	[tilespmem:s8+$0xE230] =	vst.add.f32.msk $0xffff, v6  }
0x1d4: {  	[tilespmem:s8+$0xE240] =	vst.add.f32.msk $0xffff, v7  }
0x1d5: {  	[tilespmem:s8+$0xE250] =	vst.add.f32.msk $0xffff, v8  }
0x1d6: {  	[tilespmem:s8+$0xE260] =	vst.add.f32.msk $0xffff, v9  }
0x1d7: {  	[tilespmem:s8+$0xE270] =	vst.add.f32.msk $0xffff, v10  }
0x1d8: {  	[tilespmem:s8+$0xE600] =	vst.add.f32.msk $0xffff, v11  }
.Ltmp6:
0x1d9: {  	[tilespmem:s8+$0xE610] =	vst.add.f32.msk $0xffff, v12;
	(pc) =	sbr.rel @p0 .LBB2_16-.Ltmp6, $4  }
0x1da: {  	[tilespmem:s8+$0xE620] =	vst.add.f32.msk $0xffff, v13  }
0x1db: {  	[tilespmem:s8+$0xE630] =	vst.add.f32.msk $0xffff, v14  }
0x1dc: {  	[tilespmem:s8+$0xE640] =	vst.add.f32.msk $0xffff, v15  }
0x1dd: {  	s17 =	sadd.s32 $0x2000, s17;
	[tilespmem:s8+$0xE650] =	vst.add.f32.msk $0xffff, v16  }
0x1de: {  	s11 =	sadd.s32 $0x1, s11  }
0x1df: {  	p0 =	sne.s32 s11, $0x8  }
.Ltmp7:
0x1e0: {  	_ = 	snop;
	(pc) =	sbr.rel @p0 .LBB2_15-.Ltmp7, $2  }
0x1e1: {  	_ =	sdelay $0x2  }
0x1e2: {  	[tilespmem:s8+$0xE660] =	vst.add.f32.msk $0xffff, v2;
	s9 =	sadd.s32 $0x200, s9  }
0x1e3: {  	s29 =	sadd.s32 $0x1, s29  }
0x1e4: {  	p0 =	sne.s32 s29, $0x10  }
.Ltmp8:
0x1e5: {  	_ = 	snop;
	(pc) =	sbr.rel @p0 .LBB2_2-.Ltmp8, $4  }
0x1e6: {  	s8 =	sadd.s32 s7, s10  }
0x1e7: {  	s8 =	sshll.u32 s8, $0xA  }
0x1e8: {  	s8 =	sadd.s32 s4, s8  }
0x1e9: {  	[hbm4b:s8+s5] =	stream.linear.scatter [tilespmem:s21], [sflag:$0x8], $0x2000, $0x38;
	[tilespmem:$0x10200] =	vst v63  }
0x1ea: {  	s8 =	simm.s32 $0x5  }
0x1eb: {  	_ =	swait.ge [sflag:s8], $0x2000  }
0x1ec: {  	[sflag:s8] =	ssyncset.done $0x0  }
0x1ed: {  	[sflag:s8] =	ssyncadd.s32 $0xFFFFE000  }
0x1ee: {  	_ =	swait.ge [sflag:s24], $0x2000  }
0x1ef: {  	[sflag:s24] =	ssyncset.done $0x0  }
0x1f0: {  	[sflag:s24] =	ssyncadd.s32 $0xFFFFE000  }
0x1f1: {  	_ =	swait.ge [sflag:s25], $0x2000  }
0x1f2: {  	[sflag:s25] =	ssyncset.done $0x0  }
0x1f3: {  	[sflag:s25] =	ssyncadd.s32 $0xFFFFE000  }
0x1f4: {  	_ =	swait.ge [sflag:s26], $0x2000  }
0x1f5: {  	s28 =	sadd.s32 $0x1, s28;
	s29 =	rddreg [dreg:$0xa]  }
0x1f6: {  	p0 =	sne.s32 s28, s29  }
.Ltmp9:
0x1f7: {  	_ = 	snop;
	(pc) =	sbr.rel @p0 .LBB2_1-.Ltmp9, $3  }
0x1f8: {  	_ =	sdelay $0x1  }
0x1f9: {  	[sflag:s26] =	ssyncset.done $0x0  }
0x1fa: {  	[sflag:s26] =	ssyncadd.s32 $0xFFFFE000  }
0x1fb: {  	_ =	sfence.sel $0x180000  }
0x1fc: {  	[bflag:$0x0] =	sbarrier.arrive $0xFFFF  }
0x1fd: {  	_ =	strace $0x90000047  }
0x1fe: {  	s0 =	stileid.u32;
	[bflag:$0x2] =	sbarrier.arrive $0xFFFF  }
0x1ff: {  	p0 =	sne.s32 s0, $0x0;
	s0 =	rddreg [dreg:$0x4]  }
0x200: {  	s0 =	sadd.s32 @!p0 $0x100000, s0  }
0x201: {  	[sflag:s0] =	ssyncadd.tile.s32 @!p0 $0x1;
	_ =	shalt  }
.Lfunc_end2:
_tile_overlayer_lowered:
.L_overlay_start_2:
0x202: {  	(tag) =	ssettag $0x2  }
0x203: {  	s0 =	rddreg [dreg:$0x0];
	s2 =	stileid.u32  }
0x204: {  	s1 =	rddreg [dreg:$0x1];
	p0 =	sne.s32 s2, $0x0  }
0x205: {  	s3 =	rddreg [dreg:$0x2];
	[bflag:$0x3] =	sbarrier.arrive $0xFFFF;
	s2 =	simm.s32 @!p0 $0x1C0A  }
0x206: {  	[timem:s3], [sflag:s2] =	dma.local @!p0 [hbm:s0], s1  }
0x207: {  	s0 =	simm.s32 @!p0 $0xA  }
0x208: {  	_ =	swait.ge @!p0 [sflag:s0], s1  }
0x209: {  	s1 =	ssub.s32 @!p0 $0x0, s1;
	[sflag:s0] =	ssyncset.done @!p0 $0x0  }
0x20a: {  	[sflag:s0] =	ssyncadd.s32 @!p0 s1  }
0x20b: {  	[bflag:$0x3] =	sbarrier.arrive $0xFFFF  }
0x20c: {  	_ =	shalt  }

</sc_bundles>
